<compile_context>
chip_gen: v7x
topology: tpu7x:2x2x1
jax: 0.10.2.dev20260603
libtpu: 0.0.44.dev20260713+nightly
codegen_flags: <defaults>
</compile_context>

<pallas_src>
import functools

import jax
import jax.numpy as jnp
from jax import lax
from jax.experimental import pallas as pl
from jax.experimental.pallas import tpu as pltpu
from jax.experimental.pallas import tpu_sc as plsc

NN = 10000
EE = 320000
DD = 128

NC = 2
NS = 16
CH = 128
EP = 327680
EPT = EP // NS
RPT = EPT // CH
NPAD = 10240
NH = NPAD // 2
NR = NPAD // 16
STR = NPAD // NS
DW = 16

BLK = 1024
NB = NPAD // BLK
HB = NB // 2


def _sc_mesh():
  return plsc.VectorSubcoreMesh(
      core_axis_name="c", subcore_axis_name="s", num_cores=NC, num_subcores=NS)


def _deg_body(e1_hbm, out_hbm, idx_v, acc8, sem):
  c = lax.axis_index("c")
  s = lax.axis_index("s")

  zero16 = jnp.zeros((16,), jnp.float32)

  def _z(i, carry):
    acc8[pl.ds(16 * i, 16)] = zero16
    return carry
  lax.fori_loop(0, NR * DD // 16, _z, 0)

  ones16 = jnp.ones((16,), jnp.float32)
  lanes = lax.iota(jnp.int32, 16)
  lane7 = lanes % 8
  m_lo = lanes < 8
  m_hi = lanes >= 8

  base = (1 - c) * EP + s * EPT

  def _chunk(j, carry):
    pltpu.sync_copy(e1_hbm.at[pl.ds(base + j * CH, CH)], idx_v)

    def _sub(k, c2):
      iv = idx_v[pl.ds(k * 16, 16)]
      flat = jnp.where(iv >= NH, 16 * (iv - NH) + 8, 16 * iv) + lane7
      plsc.addupdate_scatter(acc8, [flat], ones16, mask=m_lo)
      plsc.addupdate_scatter(acc8, [flat], ones16, mask=m_hi)
      return c2
    lax.fori_loop(0, CH // 16, _sub, 0)
    return carry
  lax.fori_loop(0, RPT, _chunk, 0)

  w = (c * NS + s) * NR * DD
  pltpu.sync_copy(acc8, out_hbm.at[pl.ds(w, NR * DD)])


def _degrees(e1):
  f = functools.partial(
      pl.kernel,
      out_type=jax.ShapeDtypeStruct((2 * NS * NR * DD,), jnp.float32),
      mesh=_sc_mesh(),
      compiler_params=pltpu.CompilerParams(needs_layout_passes=False),
      scratch_types=[
          pltpu.VMEM((CH,), jnp.int32),
          pltpu.VMEM((NR * DD,), jnp.float32),
          pltpu.SemaphoreType.DMA,
      ],
  )(_deg_body)
  return f(e1)


def _scale_body(x_ref, part_ref, z_ref, di_ref):
  i = pl.program_id(0)
  xb = x_ref[...]
  t = jnp.sum(part_ref[...], axis=1)
  tt = t.reshape(2, BLK // 8, 8, 16)
  lo = jnp.sum(tt[:, :, :, 0:8], axis=-1).reshape(2, BLK)
  hi = jnp.sum(tt[:, :, :, 8:16], axis=-1).reshape(2, BLK)
  deg = jnp.where(i < HB, lo, hi)
  di = jnp.maximum(deg[0], 1.0)
  do = jnp.maximum(deg[1], 1.0)
  z_ref[0] = xb
  z_ref[1] = xb * lax.rsqrt(do)[:, None]
  di_ref[...] = jnp.broadcast_to(di[:, None], (BLK, 8))


def _planes(x, partials):
  return pl.pallas_call(
      _scale_body,
      grid=(NB,),
      in_specs=[
          pl.BlockSpec((BLK, DD), lambda i: (i, 0)),
          pl.BlockSpec((2, NS, BLK // 8, DD), lambda i: (0, 0, i % HB, 0)),
      ],
      out_specs=[
          pl.BlockSpec((2, BLK, DD), lambda i: (0, i, 0)),
          pl.BlockSpec((BLK, 8), lambda i: (i, 0)),
      ],
      out_shape=[
          jax.ShapeDtypeStruct((2, NPAD, DD), jnp.float32),
          jax.ShapeDtypeStruct((NPAD, 8), jnp.float32),
      ],
  )(x, partials)


def _feat_body(z_hbm, e1_hbm, out_hbm, sidx, didx, rows, acc, sem, sem2):
  c = lax.axis_index("c")
  s = lax.axis_index("s")

  zero16 = jnp.zeros((16,), jnp.float32)

  def _zr(i, carry):
    for k in range(DD // 16):
      rows[0, i, pl.ds(k * 16, 16)] = zero16
    return carry
  lax.fori_loop(0, CH, _zr, 0)

  for k in range(STR // CH):
    pltpu.sync_copy(rows.at[0], acc.at[pl.ds(s * STR + k * CH, CH)])
  plsc.subcore_barrier()

  sbase = s * EPT
  dbase = EP + s * EPT
  off = c * NPAD

  def _load(j, slot):
    pltpu.sync_copy(e1_hbm.at[pl.ds(sbase + j * CH, CH)], sidx.at[slot])
    pltpu.sync_copy(e1_hbm.at[pl.ds(dbase + j * CH, CH)], didx.at[slot])

    def _adj(k, c2):
      sidx[slot, pl.ds(k * 16, 16)] = sidx[slot, pl.ds(k * 16, 16)] + off
      return c2
    lax.fori_loop(0, CH // 16, _adj, 0)

  def _gather(slot, gsem):
    return pltpu.async_copy(z_hbm.at[sidx.at[slot]], rows.at[slot], gsem)

  def _gwait(slot, gsem):
    pltpu.make_async_copy(z_hbm.at[sidx.at[slot]], rows.at[slot], gsem).wait()

  def _scatter(slot):
    pltpu.sync_copy(rows.at[slot], acc.at[didx.at[slot]], add=True)

  _load(0, 0)
  _gather(0, sem)

  def _pair(i, carry):
    j = 2 * i
    _load(j + 1, 1)
    _gwait(0, sem)
    _gather(1, sem2)
    _scatter(0)

    @pl.when(j + 2 < RPT)
    def _():
      _load(j + 2, 0)
    _gwait(1, sem2)

    @pl.when(j + 2 < RPT)
    def _():
      _gather(0, sem)
    _scatter(1)
    return carry
  lax.fori_loop(0, RPT // 2, _pair, 0)
  plsc.subcore_barrier()

  for k in range(STR // CH):
    pltpu.sync_copy(acc.at[pl.ds(s * STR + k * CH, CH)], rows.at[0])
    pltpu.sync_copy(rows.at[0],
                    out_hbm.at[pl.ds(c * NPAD + s * STR + k * CH, CH)])


def _segsums(z, e1):
  f = functools.partial(
      pl.kernel,
      out_type=jax.ShapeDtypeStruct((2 * NPAD, DD), jnp.float32),
      mesh=_sc_mesh(),
      scratch_types=[
          pltpu.VMEM((2, CH), jnp.int32),
          pltpu.VMEM((2, CH), jnp.int32),
          pltpu.VMEM((2, CH, DD), jnp.float32),
          pltpu.VMEM_SHARED((NPAD, DD), jnp.float32),
          pltpu.SemaphoreType.DMA,
          pltpu.SemaphoreType.DMA,
      ],
  )(_feat_body)
  return f(z, e1)


def _elu(v):
  return jnp.where(v > 0, v, jnp.exp(jnp.minimum(v, 0.0)) - 1.0)


def _mix_body(w_ref, x_ref, agg_ref, di_ref, wg_ref, bg_ref, wsl_ref,
              wsr_ref, bs_ref, wgin_ref, bgin_ref, out_ref):
  x = x_ref[...]
  sum_nb = agg_ref[0]
  s_y = agg_ref[1]
  di = di_ref[:, 0]
  agg_gcn = s_y * lax.rsqrt(di)[:, None]
  mean_nb = sum_nb * (1.0 / di)[:, None]
  h_gcn = jnp.dot(agg_gcn, wg_ref[...],
                  preferred_element_type=jnp.float32) + bg_ref[...]
  h_sage = (jnp.dot(x, wsl_ref[...], preferred_element_type=jnp.float32)
            + jnp.dot(mean_nb, wsr_ref[...], preferred_element_type=jnp.float32)
            + bs_ref[...])
  h_gin = jnp.dot(x + sum_nb, wgin_ref[...],
                  preferred_element_type=jnp.float32) + bgin_ref[...]
  out_ref[...] = (w_ref[0] * _elu(h_gcn) + w_ref[1] * _elu(h_sage)
                  + w_ref[2] * _elu(h_gin))


def _mix(weights, x, agg, di_arr, w_gcn, b_gcn, w_sage_l, w_sage_r, b_sage,
         w_gin, b_gin):
  wspec = pl.BlockSpec((DD, DD), lambda i: (0, 0))
  bspec = pl.BlockSpec((1, DD), lambda i: (0, 0))
  return pl.pallas_call(
      _mix_body,
      grid=(NB,),
      in_specs=[
          pl.BlockSpec(memory_space=pltpu.SMEM),
          pl.BlockSpec((BLK, DD), lambda i: (i, 0)),
          pl.BlockSpec((2, BLK, DD), lambda i: (0, i, 0)),
          pl.BlockSpec((BLK, 8), lambda i: (i, 0)),
          wspec, bspec, wspec, wspec, bspec, wspec, bspec,
      ],
      out_specs=pl.BlockSpec((BLK, DD), lambda i: (i, 0)),
      out_shape=jax.ShapeDtypeStruct((NN, DD), jnp.float32),
  )(weights, x, agg, di_arr, w_gcn, b_gcn.reshape(1, DD), w_sage_l, w_sage_r,
    b_sage.reshape(1, DD), w_gin, b_gin.reshape(1, DD))


def kernel(x, x0, weights, edge_index, W_gcn, b_gcn, W_sage_l, W_sage_r,
           b_sage, W_gin, b_gin):
  del x0
  pad = jnp.full((2, EP - EE), NN, dtype=jnp.int32)
  e1 = jnp.concatenate([edge_index, pad], axis=1).reshape(2 * EP)
  partials = _degrees(e1).reshape(2, NS, NR, DD)
  z, di_arr = _planes(x, partials)
  agg = _segsums(z.reshape(2 * NPAD, DD), e1).reshape(2, NPAD, DD)
  return _mix(weights, x, agg, di_arr, W_gcn, b_gcn, W_sage_l, W_sage_r,
              b_sage, W_gin, b_gin)

# --- scband reference (transcript-rebuilt; emitter-appended) ---
"""Pipeline reference for scband-na-mixed-op-50019189129629 (READ-ONLY COPY).

The authoritative reference and input builder live on the scoring server;
editing this copy changes nothing except your own understanding.
"""

import jax, jax.numpy as jnp
import numpy as np

N = 10000
E = 320000
D = 128


def setup_inputs(seed: int = 0) -> dict:
    key = jax.random.key(seed)
    ks = jax.random.split(key, 12)
    scale = 1.0 / np.sqrt(D)
    x = jax.random.normal(ks[0], (N, D), dtype=jnp.float32)
    x0 = jax.random.normal(ks[1], (N, D), dtype=jnp.float32)
    weights = jax.random.uniform(ks[2], (3,), dtype=jnp.float32)
    edge_index = jax.random.randint(ks[3], (2, E), 0, N, dtype=jnp.int32)
    W_gcn = jax.random.normal(ks[4], (D, D), dtype=jnp.float32) * scale
    b_gcn = jnp.zeros((D,), dtype=jnp.float32)
    W_sage_l = jax.random.normal(ks[5], (D, D), dtype=jnp.float32) * scale
    W_sage_r = jax.random.normal(ks[6], (D, D), dtype=jnp.float32) * scale
    b_sage = jnp.zeros((D,), dtype=jnp.float32)
    W_gin = jax.random.normal(ks[7], (D, D), dtype=jnp.float32) * scale
    b_gin = jnp.zeros((D,), dtype=jnp.float32)
    return {"x": x, "x0": x0, "weights": weights, "edge_index": edge_index,
            "W_gcn": W_gcn, "b_gcn": b_gcn, "W_sage_l": W_sage_l,
            "W_sage_r": W_sage_r, "b_sage": b_sage, "W_gin": W_gin, "b_gin": b_gin}


def reference(x, x0, weights, edge_index, W_gcn, b_gcn, W_sage_l, W_sage_r, b_sage, W_gin, b_gin):
    n = x.shape[0]
    src = edge_index[0]
    dst = edge_index[1]
    ones = jnp.ones(src.shape[0], dtype=x.dtype)
    deg_in = jax.ops.segment_sum(ones, dst, num_segments=n)
    deg_out = jax.ops.segment_sum(ones, src, num_segments=n)
    di = jnp.maximum(deg_in, 1.0)
    do = jnp.maximum(deg_out, 1.0)
    # --- GCN primitive: symmetric-normalized neighbor aggregation + linear ---
    norm = jax.lax.rsqrt(do[src] * di[dst])
    msg = x[src] * norm[:, None]
    agg_gcn = jax.ops.segment_sum(msg, dst, num_segments=n)
    h_gcn = agg_gcn @ W_gcn + b_gcn
    # --- SAGE primitive: self linear + mean-neighbor linear ---
    sum_nb = jax.ops.segment_sum(x[src], dst, num_segments=n)
    mean_nb = sum_nb / di[:, None]
    h_sage = x @ W_sage_l + mean_nb @ W_sage_r + b_sage
    # --- GIN primitive: (x + sum-neighbor) -> linear ---
    h_gin = (x + sum_nb) @ W_gin + b_gin
    # mixed op: sum_i w_i * elu(op_i(x, x0, edge_index))  (with_linear=False path)
    out = weights[0] * jax.nn.elu(h_gcn) + weights[1] * jax.nn.elu(h_sage) + weights[2] * jax.nn.elu(h_gin)
    return out

if __name__ == "__main__":
    import jax
    _d = setup_inputs()
    print(jax.jit(kernel)(*tuple(_d.values())))

</pallas_src>

<mosaic_0001>
#map = affine_map<(d0, d1) -> (0)>
module attributes {stable_mosaic.version = 14 : i64} {
  func.func @_deg_body(%arg0: i32, %arg1: i32, %arg2: memref<655360xi32, #tpu.memory_space<hbm>>, %arg3: memref<2621440xf32, #tpu.memory_space<hbm>>, %arg4: memref<128xi32, #tpu.memory_space<vmem>>, %arg5: memref<81920xf32, #tpu.memory_space<vmem>>, %arg6: memref<!tpu.dma_semaphore, #tpu.memory_space<semaphore_mem>>) attributes {dimension_semantics = [#tpu.dimension_semantics<core_parallel>, #tpu.dimension_semantics<subcore_parallel>], iteration_bounds = array<i64: 2, 16>, scalar_prefetch = 0 : i64, scratch_operands = 3 : i64, tpu.core_type = #tpu.core_type<sc_vector_subcore>, window_params = [{transform_indices = #map}, {transform_indices = #map}]} {
    %broadcast_in_dim3A = arith.constant 0.000000e+00 : f32
    %broadcast_in_dim3A_0 = vector.broadcast %broadcast_in_dim3A : f32 to vector<16xf32>
    %scan3A = arith.constant 0 : i32
    %scan3A_1 = arith.constant 0 : i32
    %scan3A_2 = arith.constant 5120 : i32
    %scan3A_3 = arith.addi %scan3A_1, %scan3A_2 : i32
    %scan3A_4 = arith.constant 1 : i32
    scf.for %scan3A_45 = %scan3A_1 to %scan3A_3 step %scan3A_4  : i32 {
      %mul3A_46 = arith.constant 16 : i32
      %mul3A_47 = arith.muli %mul3A_46, %scan3A_45 : i32
      %swap3A = arith.index_cast %mul3A_47 : i32 to index
      %swap3A_48 = tpu.vector_load %arg5[%swap3A] {strides = array<i32>} : memref<81920xf32, #tpu.memory_space<vmem>>, vector<16xf32>,
      tpu.vector_store %arg5[%swap3A], %broadcast_in_dim3A_0 {strides = array<i32>} : memref<81920xf32, #tpu.memory_space<vmem>>, vector<16xf32>,
    }
    %scan3A_5 = arith.constant 5120 : i32
    %broadcast_in_dim3A_6 = arith.constant 1.000000e+00 : f32
    %broadcast_in_dim3A_7 = vector.broadcast %broadcast_in_dim3A_6 : f32 to vector<16xf32>
    %iota3A = tpu.iota {dimensions = array<i32: 0>} : vector<16xi32>
    %jit3A = arith.constant 8 : i32
    %eq3A = arith.constant 0 : i32
    %eq3A_8 = arith.cmpi eq, %jit3A, %eq3A : i32
    %jit3A_9 = arith.constant 1 : i32
    %select_n3A = arith.select %eq3A_8, %jit3A_9, %jit3A : i32
    %rem3A = vector.broadcast %select_n3A : i32 to vector<16xi32>
    %rem3A_10 = arith.remsi %iota3A, %rem3A : vector<16xi32>
    %ne3A = arith.constant 0 : i32
    %ne3A_11 = vector.broadcast %ne3A : i32 to vector<16xi32>
    %ne3A_12 = arith.cmpi ne, %rem3A_10, %ne3A_11 : vector<16xi32>
    %lt3A = arith.constant 0 : i32
    %lt3A_13 = vector.broadcast %lt3A : i32 to vector<16xi32>
    %lt3A_14 = arith.cmpi slt, %rem3A_10, %lt3A_13 : vector<16xi32>
    %lt3A_15 = arith.constant 0 : i32
    %lt3A_16 = arith.cmpi slt, %select_n3A, %lt3A_15 : i32
    %ne3A_17 = vector.broadcast %lt3A_16 : i1 to vector<16xi1>
    %ne3A_18 = vector.broadcast %ne3A_17 : vector<16xi1> to vector<16xi1>
    %ne3A_19 = arith.xori %lt3A_14, %ne3A_18 : vector<16xi1>
    %and3A = arith.andi %ne3A_19, %ne3A_12 : vector<16xi1>
    %add3A = vector.broadcast %select_n3A : i32 to vector<16xi32>
    %add3A_20 = arith.addi %rem3A_10, %add3A : vector<16xi32>
    %select_n3A_21 = arith.select %and3A, %add3A_20, %rem3A_10 : vector<16xi1>, vector<16xi32>
    %lt3A_22 = arith.constant 8 : i32
    %lt3A_23 = vector.broadcast %lt3A_22 : i32 to vector<16xi32>
    %lt3A_24 = arith.cmpi slt, %iota3A, %lt3A_23 : vector<16xi32>
    %ge3A = arith.constant 8 : i32
    %ge3A_25 = vector.broadcast %ge3A : i32 to vector<16xi32>
    %ge3A_26 = arith.cmpi sge, %iota3A, %ge3A_25 : vector<16xi32>
    %sub3A = arith.constant 1 : i32
    %sub3A_27 = arith.subi %sub3A, %arg0 : i32
    %mul3A = arith.constant 327680 : i32
    %mul3A_28 = arith.muli %sub3A_27, %mul3A : i32
    %mul3A_29 = arith.constant 20480 : i32
    %mul3A_30 = arith.muli %arg1, %mul3A_29 : i32
    %add3A_31 = arith.addi %mul3A_28, %mul3A_30 : i32
    %scan3A_32 = arith.constant 0 : i32
    %scan3A_33 = arith.constant 0 : i32
    %scan3A_34 = arith.constant 160 : i32
    %scan3A_35 = arith.addi %scan3A_33, %scan3A_34 : i32
    %scan3A_36 = arith.constant 1 : i32
    scf.for %scan3A_45 = %scan3A_33 to %scan3A_35 step %scan3A_36  : i32 {
      %mul3A_46 = arith.constant 128 : i32
      %mul3A_47 = arith.muli %scan3A_45, %mul3A_46 : i32
      %add3A_48 = arith.addi %add3A_31, %mul3A_47 : i32
      "tpu.region"() ({
        %run_scoped3A = tpu.sem_alloc : memref<!tpu.dma_semaphore, #tpu.memory_space<semaphore_mem>>
        %dma_start3A = tpu.memref_slice %arg2[%add3A_48] : memref<655360xi32, #tpu.memory_space<hbm>> -> memref<128xi32, #tpu.memory_space<hbm>>
        %dma_start3A_55 = tpu.memref_slice %arg2[%add3A_48] : memref<655360xi32, #tpu.memory_space<hbm>> -> memref<128xi32, #tpu.memory_space<hbm>>
        tpu.enqueue_dma source(%dma_start3A_55 : memref<128xi32, #tpu.memory_space<hbm>>) target(%arg4 : memref<128xi32, #tpu.memory_space<vmem>>) target_semaphore(%run_scoped3A : memref<!tpu.dma_semaphore, #tpu.memory_space<semaphore_mem>>)
        %dma_wait3A = tpu.memref_slice %arg2[%add3A_48] : memref<655360xi32, #tpu.memory_space<hbm>> -> memref<128xi32, #tpu.memory_space<hbm>>
        %dma_wait3A_56 = tpu.memref_slice %arg2[%add3A_48] : memref<655360xi32, #tpu.memory_space<hbm>> -> memref<128xi32, #tpu.memory_space<hbm>>
        tpu.wait_dma2 semaphore(%run_scoped3A : memref<!tpu.dma_semaphore, #tpu.memory_space<semaphore_mem>>) src(%dma_wait3A_56 : memref<128xi32, #tpu.memory_space<hbm>>) dst(%arg4 : memref<128xi32, #tpu.memory_space<vmem>>)
        tpu.yield
      }) : () -> ()
      %scan3A_49 = arith.constant 0 : i32
      %scan3A_50 = arith.constant 0 : i32
      %scan3A_51 = arith.constant 8 : i32
      %scan3A_52 = arith.addi %scan3A_50, %scan3A_51 : i32
      %scan3A_53 = arith.constant 1 : i32
      scf.for %scan3A_55 = %scan3A_50 to %scan3A_52 step %scan3A_53  : i32 {
        %mul3A_56 = arith.constant 16 : i32
        %mul3A_57 = arith.muli %scan3A_55, %mul3A_56 : i32
        %get3A = arith.index_cast %mul3A_57 : i32 to index
        %get3A_58 = tpu.vector_load %arg4[%get3A] {strides = array<i32>} : memref<128xi32, #tpu.memory_space<vmem>>, vector<16xi32>,
        %ge3A_59 = arith.constant 5120 : i32
        %ge3A_60 = vector.broadcast %ge3A_59 : i32 to vector<16xi32>
        %ge3A_61 = arith.cmpi sge, %get3A_58, %ge3A_60 : vector<16xi32>
        %sub3A_62 = arith.constant 5120 : i32
        %sub3A_63 = vector.broadcast %sub3A_62 : i32 to vector<16xi32>
        %sub3A_64 = arith.subi %get3A_58, %sub3A_63 : vector<16xi32>
        %mul3A_65 = arith.constant 16 : i32
        %mul3A_66 = vector.broadcast %mul3A_65 : i32 to vector<16xi32>
        %mul3A_67 = arith.muli %mul3A_66, %sub3A_64 : vector<16xi32>
        %add3A_68 = arith.constant 8 : i32
        %add3A_69 = vector.broadcast %add3A_68 : i32 to vector<16xi32>
        %add3A_70 = arith.addi %mul3A_67, %add3A_69 : vector<16xi32>
        %mul3A_71 = arith.constant 16 : i32
        %mul3A_72 = vector.broadcast %mul3A_71 : i32 to vector<16xi32>
        %mul3A_73 = arith.muli %mul3A_72, %get3A_58 : vector<16xi32>
        %select_n3A_74 = arith.select %ge3A_61, %add3A_70, %mul3A_73 : vector<16xi1>, vector<16xi32>
        %add3A_75 = arith.addi %select_n3A_74, %select_n3A_21 : vector<16xi32>
        tpu.vector_store_idx %arg5[%add3A_75], %broadcast_in_dim3A_7 masked %lt3A_24 {add = true} : memref<81920xf32, #tpu.memory_space<vmem>>[vector<16xi32>], vector<16xf32>, vector<16xi1>
        tpu.vector_store_idx %arg5[%add3A_75], %broadcast_in_dim3A_7 masked %ge3A_26 {add = true} : memref<81920xf32, #tpu.memory_space<vmem>>[vector<16xi32>], vector<16xf32>, vector<16xi1>
      }
      %scan3A_54 = arith.constant 8 : i32
    }
    %scan3A_37 = arith.constant 160 : i32
    %mul3A_38 = arith.constant 16 : i32
    %mul3A_39 = arith.muli %arg0, %mul3A_38 : i32
    %add3A_40 = arith.addi %mul3A_39, %arg1 : i32
    %mul3A_41 = arith.constant 640 : i32
    %mul3A_42 = arith.muli %add3A_40, %mul3A_41 : i32
    %mul3A_43 = arith.constant 128 : i32
    %mul3A_44 = arith.muli %mul3A_42, %mul3A_43 : i32
    "tpu.region"() ({
      %run_scoped3A = tpu.sem_alloc : memref<!tpu.dma_semaphore, #tpu.memory_space<semaphore_mem>>
      %dma_start3A = tpu.memref_slice %arg3[%mul3A_44] : memref<2621440xf32, #tpu.memory_space<hbm>> -> memref<81920xf32, #tpu.memory_space<hbm>>
      %dma_start3A_45 = tpu.memref_slice %arg3[%mul3A_44] : memref<2621440xf32, #tpu.memory_space<hbm>> -> memref<81920xf32, #tpu.memory_space<hbm>>
      tpu.enqueue_dma source(%arg5 : memref<81920xf32, #tpu.memory_space<vmem>>) target(%dma_start3A_45 : memref<81920xf32, #tpu.memory_space<hbm>>) target_semaphore(%run_scoped3A : memref<!tpu.dma_semaphore, #tpu.memory_space<semaphore_mem>>)
      %dma_wait3A = tpu.memref_slice %arg3[%mul3A_44] : memref<2621440xf32, #tpu.memory_space<hbm>> -> memref<81920xf32, #tpu.memory_space<hbm>>
      %dma_wait3A_46 = tpu.memref_slice %arg3[%mul3A_44] : memref<2621440xf32, #tpu.memory_space<hbm>> -> memref<81920xf32, #tpu.memory_space<hbm>>
      tpu.wait_dma2 semaphore(%run_scoped3A : memref<!tpu.dma_semaphore, #tpu.memory_space<semaphore_mem>>) src(%arg5 : memref<81920xf32, #tpu.memory_space<vmem>>) dst(%dma_wait3A_46 : memref<81920xf32, #tpu.memory_space<hbm>>)
      tpu.yield
    }) : () -> ()
    return
  }
}

#map = affine_map<(d0, d1) -> (0, 0)>
#map1 = affine_map<(d0, d1) -> (0)>
module attributes {stable_mosaic.version = 14 : i64} {
  func.func @_feat_body(%arg0: i32, %arg1: i32, %arg2: memref<20480x128xf32, #tpu.memory_space<hbm>>, %arg3: memref<655360xi32, #tpu.memory_space<hbm>>, %arg4: memref<20480x128xf32, #tpu.memory_space<hbm>>, %arg5: memref<2x128xi32, #tpu.memory_space<vmem>>, %arg6: memref<2x128xi32, #tpu.memory_space<vmem>>, %arg7: memref<2x128x128xf32, #tpu.memory_space<vmem>>, %arg8: memref<10240x128xf32, #tpu.memory_space<vmem_shared>>, %arg9: memref<!tpu.dma_semaphore, #tpu.memory_space<semaphore_mem>>, %arg10: memref<!tpu.dma_semaphore, #tpu.memory_space<semaphore_mem>>) attributes {dimension_semantics = [#tpu.dimension_semantics<core_parallel>, #tpu.dimension_semantics<subcore_parallel>], iteration_bounds = array<i64: 2, 16>, scalar_prefetch = 0 : i64, scratch_operands = 6 : i64, tpu.core_type = #tpu.core_type<sc_vector_subcore>, window_params = [{transform_indices = #map}, {transform_indices = #map1}, {transform_indices = #map}]} {
    %broadcast_in_dim3A = arith.constant 0.000000e+00 : f32
    %broadcast_in_dim3A_0 = vector.broadcast %broadcast_in_dim3A : f32 to vector<16xf32>
    %scan3A = arith.constant 0 : i32
    %scan3A_1 = arith.constant 0 : i32
    %scan3A_2 = arith.constant 128 : i32
    %scan3A_3 = arith.addi %scan3A_1, %scan3A_2 : i32
    %scan3A_4 = arith.constant 1 : i32
    scf.for %scan3A_131 = %scan3A_1 to %scan3A_3 step %scan3A_4  : i32 {
      %swap3A = arith.constant 0 : i32
      %swap3A_132 = arith.index_cast %swap3A : i32 to index
      %swap3A_133 = arith.index_cast %scan3A_131 : i32 to index
      %swap3A_134 = arith.constant 0 : index
      %swap3A_135 = tpu.vector_load %arg7[%swap3A_132, %swap3A_133, %swap3A_134] {strides = array<i32>} : memref<2x128x128xf32, #tpu.memory_space<vmem>>, vector<1x1x16xf32>,
      %swap3A_136 = vector.shape_cast %swap3A_135 : vector<1x1x16xf32> to vector<16xf32>
      %swap3A_137 = vector.shape_cast %broadcast_in_dim3A_0 : vector<16xf32> to vector<1x1x16xf32>
      tpu.vector_store %arg7[%swap3A_132, %swap3A_133, %swap3A_134], %swap3A_137 {strides = array<i32>} : memref<2x128x128xf32, #tpu.memory_space<vmem>>, vector<1x1x16xf32>,
      %swap3A_138 = arith.constant 0 : i32
      %swap3A_139 = arith.index_cast %swap3A_138 : i32 to index
      %swap3A_140 = arith.index_cast %scan3A_131 : i32 to index
      %swap3A_141 = arith.constant 16 : index
      %swap3A_142 = tpu.vector_load %arg7[%swap3A_139, %swap3A_140, %swap3A_141] {strides = array<i32>} : memref<2x128x128xf32, #tpu.memory_space<vmem>>, vector<1x1x16xf32>,
      %swap3A_143 = vector.shape_cast %swap3A_142 : vector<1x1x16xf32> to vector<16xf32>
      %swap3A_144 = vector.shape_cast %broadcast_in_dim3A_0 : vector<16xf32> to vector<1x1x16xf32>
      tpu.vector_store %arg7[%swap3A_139, %swap3A_140, %swap3A_141], %swap3A_144 {strides = array<i32>} : memref<2x128x128xf32, #tpu.memory_space<vmem>>, vector<1x1x16xf32>,
      %swap3A_145 = arith.constant 0 : i32
      %swap3A_146 = arith.index_cast %swap3A_145 : i32 to index
      %swap3A_147 = arith.index_cast %scan3A_131 : i32 to index
      %swap3A_148 = arith.constant 32 : index
      %swap3A_149 = tpu.vector_load %arg7[%swap3A_146, %swap3A_147, %swap3A_148] {strides = array<i32>} : memref<2x128x128xf32, #tpu.memory_space<vmem>>, vector<1x1x16xf32>,
      %swap3A_150 = vector.shape_cast %swap3A_149 : vector<1x1x16xf32> to vector<16xf32>
      %swap3A_151 = vector.shape_cast %broadcast_in_dim3A_0 : vector<16xf32> to vector<1x1x16xf32>
      tpu.vector_store %arg7[%swap3A_146, %swap3A_147, %swap3A_148], %swap3A_151 {strides = array<i32>} : memref<2x128x128xf32, #tpu.memory_space<vmem>>, vector<1x1x16xf32>,
      %swap3A_152 = arith.constant 0 : i32
      %swap3A_153 = arith.index_cast %swap3A_152 : i32 to index
      %swap3A_154 = arith.index_cast %scan3A_131 : i32 to index
      %swap3A_155 = arith.constant 48 : index
      %swap3A_156 = tpu.vector_load %arg7[%swap3A_153, %swap3A_154, %swap3A_155] {strides = array<i32>} : memref<2x128x128xf32, #tpu.memory_space<vmem>>, vector<1x1x16xf32>,
      %swap3A_157 = vector.shape_cast %swap3A_156 : vector<1x1x16xf32> to vector<16xf32>
      %swap3A_158 = vector.shape_cast %broadcast_in_dim3A_0 : vector<16xf32> to vector<1x1x16xf32>
      tpu.vector_store %arg7[%swap3A_153, %swap3A_154, %swap3A_155], %swap3A_158 {strides = array<i32>} : memref<2x128x128xf32, #tpu.memory_space<vmem>>, vector<1x1x16xf32>,
      %swap3A_159 = arith.constant 0 : i32
      %swap3A_160 = arith.index_cast %swap3A_159 : i32 to index
      %swap3A_161 = arith.index_cast %scan3A_131 : i32 to index
      %swap3A_162 = arith.constant 64 : index
      %swap3A_163 = tpu.vector_load %arg7[%swap3A_160, %swap3A_161, %swap3A_162] {strides = array<i32>} : memref<2x128x128xf32, #tpu.memory_space<vmem>>, vector<1x1x16xf32>,
      %swap3A_164 = vector.shape_cast %swap3A_163 : vector<1x1x16xf32> to vector<16xf32>
      %swap3A_165 = vector.shape_cast %broadcast_in_dim3A_0 : vector<16xf32> to vector<1x1x16xf32>
      tpu.vector_store %arg7[%swap3A_160, %swap3A_161, %swap3A_162], %swap3A_165 {strides = array<i32>} : memref<2x128x128xf32, #tpu.memory_space<vmem>>, vector<1x1x16xf32>,
      %swap3A_166 = arith.constant 0 : i32
      %swap3A_167 = arith.index_cast %swap3A_166 : i32 to index
      %swap3A_168 = arith.index_cast %scan3A_131 : i32 to index
      %swap3A_169 = arith.constant 80 : index
      %swap3A_170 = tpu.vector_load %arg7[%swap3A_167, %swap3A_168, %swap3A_169] {strides = array<i32>} : memref<2x128x128xf32, #tpu.memory_space<vmem>>, vector<1x1x16xf32>,
      %swap3A_171 = vector.shape_cast %swap3A_170 : vector<1x1x16xf32> to vector<16xf32>
      %swap3A_172 = vector.shape_cast %broadcast_in_dim3A_0 : vector<16xf32> to vector<1x1x16xf32>
      tpu.vector_store %arg7[%swap3A_167, %swap3A_168, %swap3A_169], %swap3A_172 {strides = array<i32>} : memref<2x128x128xf32, #tpu.memory_space<vmem>>, vector<1x1x16xf32>,
      %swap3A_173 = arith.constant 0 : i32
      %swap3A_174 = arith.index_cast %swap3A_173 : i32 to index
      %swap3A_175 = arith.index_cast %scan3A_131 : i32 to index
      %swap3A_176 = arith.constant 96 : index
      %swap3A_177 = tpu.vector_load %arg7[%swap3A_174, %swap3A_175, %swap3A_176] {strides = array<i32>} : memref<2x128x128xf32, #tpu.memory_space<vmem>>, vector<1x1x16xf32>,
      %swap3A_178 = vector.shape_cast %swap3A_177 : vector<1x1x16xf32> to vector<16xf32>
      %swap3A_179 = vector.shape_cast %broadcast_in_dim3A_0 : vector<16xf32> to vector<1x1x16xf32>
      tpu.vector_store %arg7[%swap3A_174, %swap3A_175, %swap3A_176], %swap3A_179 {strides = array<i32>} : memref<2x128x128xf32, #tpu.memory_space<vmem>>, vector<1x1x16xf32>,
      %swap3A_180 = arith.constant 0 : i32
      %swap3A_181 = arith.index_cast %swap3A_180 : i32 to index
      %swap3A_182 = arith.index_cast %scan3A_131 : i32 to index
      %swap3A_183 = arith.constant 112 : index
      %swap3A_184 = tpu.vector_load %arg7[%swap3A_181, %swap3A_182, %swap3A_183] {strides = array<i32>} : memref<2x128x128xf32, #tpu.memory_space<vmem>>, vector<1x1x16xf32>,
      %swap3A_185 = vector.shape_cast %swap3A_184 : vector<1x1x16xf32> to vector<16xf32>
      %swap3A_186 = vector.shape_cast %broadcast_in_dim3A_0 : vector<16xf32> to vector<1x1x16xf32>
      tpu.vector_store %arg7[%swap3A_181, %swap3A_182, %swap3A_183], %swap3A_186 {strides = array<i32>} : memref<2x128x128xf32, #tpu.memory_space<vmem>>, vector<1x1x16xf32>,
    }
    %scan3A_5 = arith.constant 128 : i32
    %mul3A = arith.constant 640 : i32
    %mul3A_6 = arith.muli %arg1, %mul3A : i32
    %add3A = arith.constant 0 : i32
    %add3A_7 = arith.addi %mul3A_6, %add3A : i32
    %run_scoped3A = arith.constant 0 : i32
    "tpu.region"() ({
      %run_scoped3A_131 = tpu.sem_alloc : memref<!tpu.dma_semaphore, #tpu.memory_space<semaphore_mem>>
      %dma_start3A_132 = arith.constant 0 : i32
      %dma_start3A_133 = arith.constant 0 : i32
      %dma_start3A_134 = tpu.memref_slice %arg7[%run_scoped3A, %dma_start3A_132, %dma_start3A_133] : memref<2x128x128xf32, #tpu.memory_space<vmem>> -> memref<1x128x128xf32, #tpu.memory_space<vmem>>
      %dma_start3A_135 = tpu.memref_squeeze %dma_start3A_134 : memref<1x128x128xf32, #tpu.memory_space<vmem>> -> memref<128x128xf32, #tpu.memory_space<vmem>>
      %dma_start3A_136 = arith.constant 0 : i32
      %dma_start3A_137 = tpu.memref_slice %arg8[%add3A_7, %dma_start3A_136] : memref<10240x128xf32, #tpu.memory_space<vmem_shared>> -> memref<128x128xf32, #tpu.memory_space<vmem_shared>>
      %dma_start3A_138 = arith.constant 0 : i32
      %dma_start3A_139 = tpu.memref_slice %arg8[%add3A_7, %dma_start3A_138] : memref<10240x128xf32, #tpu.memory_space<vmem_shared>> -> memref<128x128xf32, #tpu.memory_space<vmem_shared>>
      %dma_start3A_140 = arith.constant 0 : i32
      %dma_start3A_141 = arith.constant 0 : i32
      %dma_start3A_142 = tpu.memref_slice %arg7[%run_scoped3A, %dma_start3A_140, %dma_start3A_141] : memref<2x128x128xf32, #tpu.memory_space<vmem>> -> memref<1x128x128xf32, #tpu.memory_space<vmem>>
      %dma_start3A_143 = tpu.memref_squeeze %dma_start3A_142 : memref<1x128x128xf32, #tpu.memory_space<vmem>> -> memref<128x128xf32, #tpu.memory_space<vmem>>
      tpu.enqueue_dma source(%dma_start3A_143 : memref<128x128xf32, #tpu.memory_space<vmem>>) target(%dma_start3A_139 : memref<128x128xf32, #tpu.memory_space<vmem_shared>>) target_semaphore(%run_scoped3A_131 : memref<!tpu.dma_semaphore, #tpu.memory_space<semaphore_mem>>)
      %dma_wait3A = arith.constant 0 : i32
      %dma_wait3A_144 = arith.constant 0 : i32
      %dma_wait3A_145 = tpu.memref_slice %arg7[%run_scoped3A, %dma_wait3A, %dma_wait3A_144] : memref<2x128x128xf32, #tpu.memory_space<vmem>> -> memref<1x128x128xf32, #tpu.memory_space<vmem>>
      %dma_wait3A_146 = tpu.memref_squeeze %dma_wait3A_145 : memref<1x128x128xf32, #tpu.memory_space<vmem>> -> memref<128x128xf32, #tpu.memory_space<vmem>>
      %dma_wait3A_147 = arith.constant 0 : i32
      %dma_wait3A_148 = tpu.memref_slice %arg8[%add3A_7, %dma_wait3A_147] : memref<10240x128xf32, #tpu.memory_space<vmem_shared>> -> memref<128x128xf32, #tpu.memory_space<vmem_shared>>
      %dma_wait3A_149 = arith.constant 0 : i32
      %dma_wait3A_150 = tpu.memref_slice %arg8[%add3A_7, %dma_wait3A_149] : memref<10240x128xf32, #tpu.memory_space<vmem_shared>> -> memref<128x128xf32, #tpu.memory_space<vmem_shared>>
      %dma_wait3A_151 = arith.constant 0 : i32
      %dma_wait3A_152 = arith.constant 0 : i32
      %dma_wait3A_153 = tpu.memref_slice %arg7[%run_scoped3A, %dma_wait3A_151, %dma_wait3A_152] : memref<2x128x128xf32, #tpu.memory_space<vmem>> -> memref<1x128x128xf32, #tpu.memory_space<vmem>>
      %dma_wait3A_154 = tpu.memref_squeeze %dma_wait3A_153 : memref<1x128x128xf32, #tpu.memory_space<vmem>> -> memref<128x128xf32, #tpu.memory_space<vmem>>
      tpu.wait_dma2 semaphore(%run_scoped3A_131 : memref<!tpu.dma_semaphore, #tpu.memory_space<semaphore_mem>>) src(%dma_wait3A_154 : memref<128x128xf32, #tpu.memory_space<vmem>>) dst(%dma_wait3A_150 : memref<128x128xf32, #tpu.memory_space<vmem_shared>>)
      tpu.yield
    }) : () -> ()
    %mul3A_8 = arith.constant 640 : i32
    %mul3A_9 = arith.muli %arg1, %mul3A_8 : i32
    %add3A_10 = arith.constant 128 : i32
    %add3A_11 = arith.addi %mul3A_9, %add3A_10 : i32
    %run_scoped3A_12 = arith.constant 0 : i32
    "tpu.region"() ({
      %run_scoped3A_131 = tpu.sem_alloc : memref<!tpu.dma_semaphore, #tpu.memory_space<semaphore_mem>>
      %dma_start3A_132 = arith.constant 0 : i32
      %dma_start3A_133 = arith.constant 0 : i32
      %dma_start3A_134 = tpu.memref_slice %arg7[%run_scoped3A_12, %dma_start3A_132, %dma_start3A_133] : memref<2x128x128xf32, #tpu.memory_space<vmem>> -> memref<1x128x128xf32, #tpu.memory_space<vmem>>
      %dma_start3A_135 = tpu.memref_squeeze %dma_start3A_134 : memref<1x128x128xf32, #tpu.memory_space<vmem>> -> memref<128x128xf32, #tpu.memory_space<vmem>>
      %dma_start3A_136 = arith.constant 0 : i32
      %dma_start3A_137 = tpu.memref_slice %arg8[%add3A_11, %dma_start3A_136] : memref<10240x128xf32, #tpu.memory_space<vmem_shared>> -> memref<128x128xf32, #tpu.memory_space<vmem_shared>>
      %dma_start3A_138 = arith.constant 0 : i32
      %dma_start3A_139 = tpu.memref_slice %arg8[%add3A_11, %dma_start3A_138] : memref<10240x128xf32, #tpu.memory_space<vmem_shared>> -> memref<128x128xf32, #tpu.memory_space<vmem_shared>>
      %dma_start3A_140 = arith.constant 0 : i32
      %dma_start3A_141 = arith.constant 0 : i32
      %dma_start3A_142 = tpu.memref_slice %arg7[%run_scoped3A_12, %dma_start3A_140, %dma_start3A_141] : memref<2x128x128xf32, #tpu.memory_space<vmem>> -> memref<1x128x128xf32, #tpu.memory_space<vmem>>
      %dma_start3A_143 = tpu.memref_squeeze %dma_start3A_142 : memref<1x128x128xf32, #tpu.memory_space<vmem>> -> memref<128x128xf32, #tpu.memory_space<vmem>>
      tpu.enqueue_dma source(%dma_start3A_143 : memref<128x128xf32, #tpu.memory_space<vmem>>) target(%dma_start3A_139 : memref<128x128xf32, #tpu.memory_space<vmem_shared>>) target_semaphore(%run_scoped3A_131 : memref<!tpu.dma_semaphore, #tpu.memory_space<semaphore_mem>>)
      %dma_wait3A = arith.constant 0 : i32
      %dma_wait3A_144 = arith.constant 0 : i32
      %dma_wait3A_145 = tpu.memref_slice %arg7[%run_scoped3A_12, %dma_wait3A, %dma_wait3A_144] : memref<2x128x128xf32, #tpu.memory_space<vmem>> -> memref<1x128x128xf32, #tpu.memory_space<vmem>>
      %dma_wait3A_146 = tpu.memref_squeeze %dma_wait3A_145 : memref<1x128x128xf32, #tpu.memory_space<vmem>> -> memref<128x128xf32, #tpu.memory_space<vmem>>
      %dma_wait3A_147 = arith.constant 0 : i32
      %dma_wait3A_148 = tpu.memref_slice %arg8[%add3A_11, %dma_wait3A_147] : memref<10240x128xf32, #tpu.memory_space<vmem_shared>> -> memref<128x128xf32, #tpu.memory_space<vmem_shared>>
      %dma_wait3A_149 = arith.constant 0 : i32
      %dma_wait3A_150 = tpu.memref_slice %arg8[%add3A_11, %dma_wait3A_149] : memref<10240x128xf32, #tpu.memory_space<vmem_shared>> -> memref<128x128xf32, #tpu.memory_space<vmem_shared>>
      %dma_wait3A_151 = arith.constant 0 : i32
      %dma_wait3A_152 = arith.constant 0 : i32
      %dma_wait3A_153 = tpu.memref_slice %arg7[%run_scoped3A_12, %dma_wait3A_151, %dma_wait3A_152] : memref<2x128x128xf32, #tpu.memory_space<vmem>> -> memref<1x128x128xf32, #tpu.memory_space<vmem>>
      %dma_wait3A_154 = tpu.memref_squeeze %dma_wait3A_153 : memref<1x128x128xf32, #tpu.memory_space<vmem>> -> memref<128x128xf32, #tpu.memory_space<vmem>>
      tpu.wait_dma2 semaphore(%run_scoped3A_131 : memref<!tpu.dma_semaphore, #tpu.memory_space<semaphore_mem>>) src(%dma_wait3A_154 : memref<128x128xf32, #tpu.memory_space<vmem>>) dst(%dma_wait3A_150 : memref<128x128xf32, #tpu.memory_space<vmem_shared>>)
      tpu.yield
    }) : () -> ()
    %mul3A_13 = arith.constant 640 : i32
    %mul3A_14 = arith.muli %arg1, %mul3A_13 : i32
    %add3A_15 = arith.constant 256 : i32
    %add3A_16 = arith.addi %mul3A_14, %add3A_15 : i32
    %run_scoped3A_17 = arith.constant 0 : i32
    "tpu.region"() ({
      %run_scoped3A_131 = tpu.sem_alloc : memref<!tpu.dma_semaphore, #tpu.memory_space<semaphore_mem>>
      %dma_start3A_132 = arith.constant 0 : i32
      %dma_start3A_133 = arith.constant 0 : i32
      %dma_start3A_134 = tpu.memref_slice %arg7[%run_scoped3A_17, %dma_start3A_132, %dma_start3A_133] : memref<2x128x128xf32, #tpu.memory_space<vmem>> -> memref<1x128x128xf32, #tpu.memory_space<vmem>>
      %dma_start3A_135 = tpu.memref_squeeze %dma_start3A_134 : memref<1x128x128xf32, #tpu.memory_space<vmem>> -> memref<128x128xf32, #tpu.memory_space<vmem>>
      %dma_start3A_136 = arith.constant 0 : i32
      %dma_start3A_137 = tpu.memref_slice %arg8[%add3A_16, %dma_start3A_136] : memref<10240x128xf32, #tpu.memory_space<vmem_shared>> -> memref<128x128xf32, #tpu.memory_space<vmem_shared>>
      %dma_start3A_138 = arith.constant 0 : i32
      %dma_start3A_139 = tpu.memref_slice %arg8[%add3A_16, %dma_start3A_138] : memref<10240x128xf32, #tpu.memory_space<vmem_shared>> -> memref<128x128xf32, #tpu.memory_space<vmem_shared>>
      %dma_start3A_140 = arith.constant 0 : i32
      %dma_start3A_141 = arith.constant 0 : i32
      %dma_start3A_142 = tpu.memref_slice %arg7[%run_scoped3A_17, %dma_start3A_140, %dma_start3A_141] : memref<2x128x128xf32, #tpu.memory_space<vmem>> -> memref<1x128x128xf32, #tpu.memory_space<vmem>>
      %dma_start3A_143 = tpu.memref_squeeze %dma_start3A_142 : memref<1x128x128xf32, #tpu.memory_space<vmem>> -> memref<128x128xf32, #tpu.memory_space<vmem>>
      tpu.enqueue_dma source(%dma_start3A_143 : memref<128x128xf32, #tpu.memory_space<vmem>>) target(%dma_start3A_139 : memref<128x128xf32, #tpu.memory_space<vmem_shared>>) target_semaphore(%run_scoped3A_131 : memref<!tpu.dma_semaphore, #tpu.memory_space<semaphore_mem>>)
      %dma_wait3A = arith.constant 0 : i32
      %dma_wait3A_144 = arith.constant 0 : i32
      %dma_wait3A_145 = tpu.memref_slice %arg7[%run_scoped3A_17, %dma_wait3A, %dma_wait3A_144] : memref<2x128x128xf32, #tpu.memory_space<vmem>> -> memref<1x128x128xf32, #tpu.memory_space<vmem>>
      %dma_wait3A_146 = tpu.memref_squeeze %dma_wait3A_145 : memref<1x128x128xf32, #tpu.memory_space<vmem>> -> memref<128x128xf32, #tpu.memory_space<vmem>>
      %dma_wait3A_147 = arith.constant 0 : i32
      %dma_wait3A_148 = tpu.memref_slice %arg8[%add3A_16, %dma_wait3A_147] : memref<10240x128xf32, #tpu.memory_space<vmem_shared>> -> memref<128x128xf32, #tpu.memory_space<vmem_shared>>
      %dma_wait3A_149 = arith.constant 0 : i32
      %dma_wait3A_150 = tpu.memref_slice %arg8[%add3A_16, %dma_wait3A_149] : memref<10240x128xf32, #tpu.memory_space<vmem_shared>> -> memref<128x128xf32, #tpu.memory_space<vmem_shared>>
      %dma_wait3A_151 = arith.constant 0 : i32
      %dma_wait3A_152 = arith.constant 0 : i32
      %dma_wait3A_153 = tpu.memref_slice %arg7[%run_scoped3A_17, %dma_wait3A_151, %dma_wait3A_152] : memref<2x128x128xf32, #tpu.memory_space<vmem>> -> memref<1x128x128xf32, #tpu.memory_space<vmem>>
      %dma_wait3A_154 = tpu.memref_squeeze %dma_wait3A_153 : memref<1x128x128xf32, #tpu.memory_space<vmem>> -> memref<128x128xf32, #tpu.memory_space<vmem>>
      tpu.wait_dma2 semaphore(%run_scoped3A_131 : memref<!tpu.dma_semaphore, #tpu.memory_space<semaphore_mem>>) src(%dma_wait3A_154 : memref<128x128xf32, #tpu.memory_space<vmem>>) dst(%dma_wait3A_150 : memref<128x128xf32, #tpu.memory_space<vmem_shared>>)
      tpu.yield
    }) : () -> ()
    %mul3A_18 = arith.constant 640 : i32
    %mul3A_19 = arith.muli %arg1, %mul3A_18 : i32
    %add3A_20 = arith.constant 384 : i32
    %add3A_21 = arith.addi %mul3A_19, %add3A_20 : i32
    %run_scoped3A_22 = arith.constant 0 : i32
    "tpu.region"() ({
      %run_scoped3A_131 = tpu.sem_alloc : memref<!tpu.dma_semaphore, #tpu.memory_space<semaphore_mem>>
      %dma_start3A_132 = arith.constant 0 : i32
      %dma_start3A_133 = arith.constant 0 : i32
      %dma_start3A_134 = tpu.memref_slice %arg7[%run_scoped3A_22, %dma_start3A_132, %dma_start3A_133] : memref<2x128x128xf32, #tpu.memory_space<vmem>> -> memref<1x128x128xf32, #tpu.memory_space<vmem>>
      %dma_start3A_135 = tpu.memref_squeeze %dma_start3A_134 : memref<1x128x128xf32, #tpu.memory_space<vmem>> -> memref<128x128xf32, #tpu.memory_space<vmem>>
      %dma_start3A_136 = arith.constant 0 : i32
      %dma_start3A_137 = tpu.memref_slice %arg8[%add3A_21, %dma_start3A_136] : memref<10240x128xf32, #tpu.memory_space<vmem_shared>> -> memref<128x128xf32, #tpu.memory_space<vmem_shared>>
      %dma_start3A_138 = arith.constant 0 : i32
      %dma_start3A_139 = tpu.memref_slice %arg8[%add3A_21, %dma_start3A_138] : memref<10240x128xf32, #tpu.memory_space<vmem_shared>> -> memref<128x128xf32, #tpu.memory_space<vmem_shared>>
      %dma_start3A_140 = arith.constant 0 : i32
      %dma_start3A_141 = arith.constant 0 : i32
      %dma_start3A_142 = tpu.memref_slice %arg7[%run_scoped3A_22, %dma_start3A_140, %dma_start3A_141] : memref<2x128x128xf32, #tpu.memory_space<vmem>> -> memref<1x128x128xf32, #tpu.memory_space<vmem>>
      %dma_start3A_143 = tpu.memref_squeeze %dma_start3A_142 : memref<1x128x128xf32, #tpu.memory_space<vmem>> -> memref<128x128xf32, #tpu.memory_space<vmem>>
      tpu.enqueue_dma source(%dma_start3A_143 : memref<128x128xf32, #tpu.memory_space<vmem>>) target(%dma_start3A_139 : memref<128x128xf32, #tpu.memory_space<vmem_shared>>) target_semaphore(%run_scoped3A_131 : memref<!tpu.dma_semaphore, #tpu.memory_space<semaphore_mem>>)
      %dma_wait3A = arith.constant 0 : i32
      %dma_wait3A_144 = arith.constant 0 : i32
      %dma_wait3A_145 = tpu.memref_slice %arg7[%run_scoped3A_22, %dma_wait3A, %dma_wait3A_144] : memref<2x128x128xf32, #tpu.memory_space<vmem>> -> memref<1x128x128xf32, #tpu.memory_space<vmem>>
      %dma_wait3A_146 = tpu.memref_squeeze %dma_wait3A_145 : memref<1x128x128xf32, #tpu.memory_space<vmem>> -> memref<128x128xf32, #tpu.memory_space<vmem>>
      %dma_wait3A_147 = arith.constant 0 : i32
      %dma_wait3A_148 = tpu.memref_slice %arg8[%add3A_21, %dma_wait3A_147] : memref<10240x128xf32, #tpu.memory_space<vmem_shared>> -> memref<128x128xf32, #tpu.memory_space<vmem_shared>>
      %dma_wait3A_149 = arith.constant 0 : i32
      %dma_wait3A_150 = tpu.memref_slice %arg8[%add3A_21, %dma_wait3A_149] : memref<10240x128xf32, #tpu.memory_space<vmem_shared>> -> memref<128x128xf32, #tpu.memory_space<vmem_shared>>
      %dma_wait3A_151 = arith.constant 0 : i32
      %dma_wait3A_152 = arith.constant 0 : i32
      %dma_wait3A_153 = tpu.memref_slice %arg7[%run_scoped3A_22, %dma_wait3A_151, %dma_wait3A_152] : memref<2x128x128xf32, #tpu.memory_space<vmem>> -> memref<1x128x128xf32, #tpu.memory_space<vmem>>
      %dma_wait3A_154 = tpu.memref_squeeze %dma_wait3A_153 : memref<1x128x128xf32, #tpu.memory_space<vmem>> -> memref<128x128xf32, #tpu.memory_space<vmem>>
      tpu.wait_dma2 semaphore(%run_scoped3A_131 : memref<!tpu.dma_semaphore, #tpu.memory_space<semaphore_mem>>) src(%dma_wait3A_154 : memref<128x128xf32, #tpu.memory_space<vmem>>) dst(%dma_wait3A_150 : memref<128x128xf32, #tpu.memory_space<vmem_shared>>)
      tpu.yield
    }) : () -> ()
    %mul3A_23 = arith.constant 640 : i32
    %mul3A_24 = arith.muli %arg1, %mul3A_23 : i32
    %add3A_25 = arith.constant 512 : i32
    %add3A_26 = arith.addi %mul3A_24, %add3A_25 : i32
    %run_scoped3A_27 = arith.constant 0 : i32
    "tpu.region"() ({
      %run_scoped3A_131 = tpu.sem_alloc : memref<!tpu.dma_semaphore, #tpu.memory_space<semaphore_mem>>
      %dma_start3A_132 = arith.constant 0 : i32
      %dma_start3A_133 = arith.constant 0 : i32
      %dma_start3A_134 = tpu.memref_slice %arg7[%run_scoped3A_27, %dma_start3A_132, %dma_start3A_133] : memref<2x128x128xf32, #tpu.memory_space<vmem>> -> memref<1x128x128xf32, #tpu.memory_space<vmem>>
      %dma_start3A_135 = tpu.memref_squeeze %dma_start3A_134 : memref<1x128x128xf32, #tpu.memory_space<vmem>> -> memref<128x128xf32, #tpu.memory_space<vmem>>
      %dma_start3A_136 = arith.constant 0 : i32
      %dma_start3A_137 = tpu.memref_slice %arg8[%add3A_26, %dma_start3A_136] : memref<10240x128xf32, #tpu.memory_space<vmem_shared>> -> memref<128x128xf32, #tpu.memory_space<vmem_shared>>
      %dma_start3A_138 = arith.constant 0 : i32
      %dma_start3A_139 = tpu.memref_slice %arg8[%add3A_26, %dma_start3A_138] : memref<10240x128xf32, #tpu.memory_space<vmem_shared>> -> memref<128x128xf32, #tpu.memory_space<vmem_shared>>
      %dma_start3A_140 = arith.constant 0 : i32
      %dma_start3A_141 = arith.constant 0 : i32
      %dma_start3A_142 = tpu.memref_slice %arg7[%run_scoped3A_27, %dma_start3A_140, %dma_start3A_141] : memref<2x128x128xf32, #tpu.memory_space<vmem>> -> memref<1x128x128xf32, #tpu.memory_space<vmem>>
      %dma_start3A_143 = tpu.memref_squeeze %dma_start3A_142 : memref<1x128x128xf32, #tpu.memory_space<vmem>> -> memref<128x128xf32, #tpu.memory_space<vmem>>
      tpu.enqueue_dma source(%dma_start3A_143 : memref<128x128xf32, #tpu.memory_space<vmem>>) target(%dma_start3A_139 : memref<128x128xf32, #tpu.memory_space<vmem_shared>>) target_semaphore(%run_scoped3A_131 : memref<!tpu.dma_semaphore, #tpu.memory_space<semaphore_mem>>)
      %dma_wait3A = arith.constant 0 : i32
      %dma_wait3A_144 = arith.constant 0 : i32
      %dma_wait3A_145 = tpu.memref_slice %arg7[%run_scoped3A_27, %dma_wait3A, %dma_wait3A_144] : memref<2x128x128xf32, #tpu.memory_space<vmem>> -> memref<1x128x128xf32, #tpu.memory_space<vmem>>
      %dma_wait3A_146 = tpu.memref_squeeze %dma_wait3A_145 : memref<1x128x128xf32, #tpu.memory_space<vmem>> -> memref<128x128xf32, #tpu.memory_space<vmem>>
      %dma_wait3A_147 = arith.constant 0 : i32
      %dma_wait3A_148 = tpu.memref_slice %arg8[%add3A_26, %dma_wait3A_147] : memref<10240x128xf32, #tpu.memory_space<vmem_shared>> -> memref<128x128xf32, #tpu.memory_space<vmem_shared>>
      %dma_wait3A_149 = arith.constant 0 : i32
      %dma_wait3A_150 = tpu.memref_slice %arg8[%add3A_26, %dma_wait3A_149] : memref<10240x128xf32, #tpu.memory_space<vmem_shared>> -> memref<128x128xf32, #tpu.memory_space<vmem_shared>>
      %dma_wait3A_151 = arith.constant 0 : i32
      %dma_wait3A_152 = arith.constant 0 : i32
      %dma_wait3A_153 = tpu.memref_slice %arg7[%run_scoped3A_27, %dma_wait3A_151, %dma_wait3A_152] : memref<2x128x128xf32, #tpu.memory_space<vmem>> -> memref<1x128x128xf32, #tpu.memory_space<vmem>>
      %dma_wait3A_154 = tpu.memref_squeeze %dma_wait3A_153 : memref<1x128x128xf32, #tpu.memory_space<vmem>> -> memref<128x128xf32, #tpu.memory_space<vmem>>
      tpu.wait_dma2 semaphore(%run_scoped3A_131 : memref<!tpu.dma_semaphore, #tpu.memory_space<semaphore_mem>>) src(%dma_wait3A_154 : memref<128x128xf32, #tpu.memory_space<vmem>>) dst(%dma_wait3A_150 : memref<128x128xf32, #tpu.memory_space<vmem_shared>>)
      tpu.yield
    }) : () -> ()
    %barrier3A = arith.constant 0 : index
    tpu.barrier barrier_id(%barrier3A)
    %mul3A_28 = arith.constant 20480 : i32
    %mul3A_29 = arith.muli %arg1, %mul3A_28 : i32
    %mul3A_30 = arith.constant 20480 : i32
    %mul3A_31 = arith.muli %arg1, %mul3A_30 : i32
    %add3A_32 = arith.constant 327680 : i32
    %add3A_33 = arith.addi %add3A_32, %mul3A_31 : i32
    %mul3A_34 = arith.constant 10240 : i32
    %mul3A_35 = arith.muli %arg0, %mul3A_34 : i32
    %add3A_36 = arith.constant 0 : i32
    %add3A_37 = arith.addi %mul3A_29, %add3A_36 : i32
    %run_scoped3A_38 = arith.constant 0 : i32
    "tpu.region"() ({
      %run_scoped3A_131 = tpu.sem_alloc : memref<!tpu.dma_semaphore, #tpu.memory_space<semaphore_mem>>
      %dma_start3A_132 = arith.constant 0 : i32
      %dma_start3A_133 = tpu.memref_slice %arg5[%run_scoped3A_38, %dma_start3A_132] : memref<2x128xi32, #tpu.memory_space<vmem>> -> memref<1x128xi32, #tpu.memory_space<vmem>>
      %dma_start3A_134 = tpu.memref_squeeze %dma_start3A_133 : memref<1x128xi32, #tpu.memory_space<vmem>> -> memref<128xi32, #tpu.memory_space<vmem>>
      %dma_start3A_135 = tpu.memref_slice %arg3[%add3A_37] : memref<655360xi32, #tpu.memory_space<hbm>> -> memref<128xi32, #tpu.memory_space<hbm>>
      %dma_start3A_136 = arith.constant 0 : i32
      %dma_start3A_137 = tpu.memref_slice %arg5[%run_scoped3A_38, %dma_start3A_136] : memref<2x128xi32, #tpu.memory_space<vmem>> -> memref<1x128xi32, #tpu.memory_space<vmem>>
      %dma_start3A_138 = tpu.memref_squeeze %dma_start3A_137 : memref<1x128xi32, #tpu.memory_space<vmem>> -> memref<128xi32, #tpu.memory_space<vmem>>
      %dma_start3A_139 = tpu.memref_slice %arg3[%add3A_37] : memref<655360xi32, #tpu.memory_space<hbm>> -> memref<128xi32, #tpu.memory_space<hbm>>
      tpu.enqueue_dma source(%dma_start3A_139 : memref<128xi32, #tpu.memory_space<hbm>>) target(%dma_start3A_138 : memref<128xi32, #tpu.memory_space<vmem>>) target_semaphore(%run_scoped3A_131 : memref<!tpu.dma_semaphore, #tpu.memory_space<semaphore_mem>>)
      %dma_wait3A = arith.constant 0 : i32
      %dma_wait3A_140 = tpu.memref_slice %arg5[%run_scoped3A_38, %dma_wait3A] : memref<2x128xi32, #tpu.memory_space<vmem>> -> memref<1x128xi32, #tpu.memory_space<vmem>>
      %dma_wait3A_141 = tpu.memref_squeeze %dma_wait3A_140 : memref<1x128xi32, #tpu.memory_space<vmem>> -> memref<128xi32, #tpu.memory_space<vmem>>
      %dma_wait3A_142 = tpu.memref_slice %arg3[%add3A_37] : memref<655360xi32, #tpu.memory_space<hbm>> -> memref<128xi32, #tpu.memory_space<hbm>>
      %dma_wait3A_143 = arith.constant 0 : i32
      %dma_wait3A_144 = tpu.memref_slice %arg5[%run_scoped3A_38, %dma_wait3A_143] : memref<2x128xi32, #tpu.memory_space<vmem>> -> memref<1x128xi32, #tpu.memory_space<vmem>>
      %dma_wait3A_145 = tpu.memref_squeeze %dma_wait3A_144 : memref<1x128xi32, #tpu.memory_space<vmem>> -> memref<128xi32, #tpu.memory_space<vmem>>
      %dma_wait3A_146 = tpu.memref_slice %arg3[%add3A_37] : memref<655360xi32, #tpu.memory_space<hbm>> -> memref<128xi32, #tpu.memory_space<hbm>>
      tpu.wait_dma2 semaphore(%run_scoped3A_131 : memref<!tpu.dma_semaphore, #tpu.memory_space<semaphore_mem>>) src(%dma_wait3A_146 : memref<128xi32, #tpu.memory_space<hbm>>) dst(%dma_wait3A_145 : memref<128xi32, #tpu.memory_space<vmem>>)
      tpu.yield
    }) : () -> ()
    %add3A_39 = arith.constant 0 : i32
    %add3A_40 = arith.addi %add3A_33, %add3A_39 : i32
    %run_scoped3A_41 = arith.constant 0 : i32
    "tpu.region"() ({
      %run_scoped3A_131 = tpu.sem_alloc : memref<!tpu.dma_semaphore, #tpu.memory_space<semaphore_mem>>
      %dma_start3A_132 = arith.constant 0 : i32
      %dma_start3A_133 = tpu.memref_slice %arg6[%run_scoped3A_41, %dma_start3A_132] : memref<2x128xi32, #tpu.memory_space<vmem>> -> memref<1x128xi32, #tpu.memory_space<vmem>>
      %dma_start3A_134 = tpu.memref_squeeze %dma_start3A_133 : memref<1x128xi32, #tpu.memory_space<vmem>> -> memref<128xi32, #tpu.memory_space<vmem>>
      %dma_start3A_135 = tpu.memref_slice %arg3[%add3A_40] : memref<655360xi32, #tpu.memory_space<hbm>> -> memref<128xi32, #tpu.memory_space<hbm>>
      %dma_start3A_136 = arith.constant 0 : i32
      %dma_start3A_137 = tpu.memref_slice %arg6[%run_scoped3A_41, %dma_start3A_136] : memref<2x128xi32, #tpu.memory_space<vmem>> -> memref<1x128xi32, #tpu.memory_space<vmem>>
      %dma_start3A_138 = tpu.memref_squeeze %dma_start3A_137 : memref<1x128xi32, #tpu.memory_space<vmem>> -> memref<128xi32, #tpu.memory_space<vmem>>
      %dma_start3A_139 = tpu.memref_slice %arg3[%add3A_40] : memref<655360xi32, #tpu.memory_space<hbm>> -> memref<128xi32, #tpu.memory_space<hbm>>
      tpu.enqueue_dma source(%dma_start3A_139 : memref<128xi32, #tpu.memory_space<hbm>>) target(%dma_start3A_138 : memref<128xi32, #tpu.memory_space<vmem>>) target_semaphore(%run_scoped3A_131 : memref<!tpu.dma_semaphore, #tpu.memory_space<semaphore_mem>>)
      %dma_wait3A = arith.constant 0 : i32
      %dma_wait3A_140 = tpu.memref_slice %arg6[%run_scoped3A_41, %dma_wait3A] : memref<2x128xi32, #tpu.memory_space<vmem>> -> memref<1x128xi32, #tpu.memory_space<vmem>>
      %dma_wait3A_141 = tpu.memref_squeeze %dma_wait3A_140 : memref<1x128xi32, #tpu.memory_space<vmem>> -> memref<128xi32, #tpu.memory_space<vmem>>
      %dma_wait3A_142 = tpu.memref_slice %arg3[%add3A_40] : memref<655360xi32, #tpu.memory_space<hbm>> -> memref<128xi32, #tpu.memory_space<hbm>>
      %dma_wait3A_143 = arith.constant 0 : i32
      %dma_wait3A_144 = tpu.memref_slice %arg6[%run_scoped3A_41, %dma_wait3A_143] : memref<2x128xi32, #tpu.memory_space<vmem>> -> memref<1x128xi32, #tpu.memory_space<vmem>>
      %dma_wait3A_145 = tpu.memref_squeeze %dma_wait3A_144 : memref<1x128xi32, #tpu.memory_space<vmem>> -> memref<128xi32, #tpu.memory_space<vmem>>
      %dma_wait3A_146 = tpu.memref_slice %arg3[%add3A_40] : memref<655360xi32, #tpu.memory_space<hbm>> -> memref<128xi32, #tpu.memory_space<hbm>>
      tpu.wait_dma2 semaphore(%run_scoped3A_131 : memref<!tpu.dma_semaphore, #tpu.memory_space<semaphore_mem>>) src(%dma_wait3A_146 : memref<128xi32, #tpu.memory_space<hbm>>) dst(%dma_wait3A_145 : memref<128xi32, #tpu.memory_space<vmem>>)
      tpu.yield
    }) : () -> ()
    %scan3A_42 = arith.constant 0 : i32
    %scan3A_43 = arith.constant 0 : i32
    %scan3A_44 = arith.constant 8 : i32
    %scan3A_45 = arith.addi %scan3A_43, %scan3A_44 : i32
    %scan3A_46 = arith.constant 1 : i32
    scf.for %scan3A_131 = %scan3A_43 to %scan3A_45 step %scan3A_46  : i32 {
      %mul3A_132 = arith.constant 16 : i32
      %mul3A_133 = arith.muli %scan3A_131, %mul3A_132 : i32
      %get3A = arith.constant 0 : i32
      %get3A_134 = arith.index_cast %get3A : i32 to index
      %get3A_135 = arith.index_cast %mul3A_133 : i32 to index
      %get3A_136 = tpu.vector_load %arg5[%get3A_134, %get3A_135] {strides = array<i32>} : memref<2x128xi32, #tpu.memory_space<vmem>>, vector<1x16xi32>,
      %get3A_137 = vector.shape_cast %get3A_136 : vector<1x16xi32> to vector<16xi32>
      %add3A_138 = vector.broadcast %mul3A_35 : i32 to vector<16xi32>
      %add3A_139 = arith.addi %get3A_137, %add3A_138 : vector<16xi32>
      %mul3A_140 = arith.constant 16 : i32
      %mul3A_141 = arith.muli %scan3A_131, %mul3A_140 : i32
      %swap3A = arith.constant 0 : i32
      %swap3A_142 = arith.index_cast %swap3A : i32 to index
      %swap3A_143 = arith.index_cast %mul3A_141 : i32 to index
      %swap3A_144 = tpu.vector_load %arg5[%swap3A_142, %swap3A_143] {strides = array<i32>} : memref<2x128xi32, #tpu.memory_space<vmem>>, vector<1x16xi32>,
      %swap3A_145 = vector.shape_cast %swap3A_144 : vector<1x16xi32> to vector<16xi32>
      %swap3A_146 = vector.shape_cast %add3A_139 : vector<16xi32> to vector<1x16xi32>
      tpu.vector_store %arg5[%swap3A_142, %swap3A_143], %swap3A_146 {strides = array<i32>} : memref<2x128xi32, #tpu.memory_space<vmem>>, vector<1x16xi32>,
    }
    %scan3A_47 = arith.constant 8 : i32
    %dma_start3A = arith.constant 0 : i32
    %dma_start3A_48 = arith.constant 0 : i32
    %dma_start3A_49 = arith.constant 0 : i32
    %dma_start3A_50 = arith.constant 0 : i32
    %dma_start3A_51 = tpu.memref_slice %arg7[%dma_start3A_48, %dma_start3A_49, %dma_start3A_50] : memref<2x128x128xf32, #tpu.memory_space<vmem>> -> memref<1x128x128xf32, #tpu.memory_space<vmem>>
    %dma_start3A_52 = tpu.memref_squeeze %dma_start3A_51 : memref<1x128x128xf32, #tpu.memory_space<vmem>> -> memref<128x128xf32, #tpu.memory_space<vmem>>
    %dma_start3A_53 = arith.constant 0 : i32
    %dma_start3A_54 = tpu.memref_slice %arg5[%dma_start3A, %dma_start3A_53] : memref<2x128xi32, #tpu.memory_space<vmem>> -> memref<1x128xi32, #tpu.memory_space<vmem>>
    %dma_start3A_55 = tpu.memref_squeeze %dma_start3A_54 : memref<1x128xi32, #tpu.memory_space<vmem>> -> memref<128xi32, #tpu.memory_space<vmem>>
    %dma_start3A_56 = arith.constant 0 : i32
    %dma_start3A_57 = arith.constant 0 : i32
    %dma_start3A_58 = tpu.memref_slice %arg2[%dma_start3A_56, %dma_start3A_57] : memref<20480x128xf32, #tpu.memory_space<hbm>> -> memref<20480x128xf32, #tpu.memory_space<hbm>>
    tpu.enqueue_indirect_dma source(%dma_start3A_58 : memref<20480x128xf32, #tpu.memory_space<hbm>>) target(%dma_start3A_52 : memref<128x128xf32, #tpu.memory_space<vmem>>) offsets(%dma_start3A_55 : memref<128xi32, #tpu.memory_space<vmem>>) semaphore(%arg9 : memref<!tpu.dma_semaphore, #tpu.memory_space<semaphore_mem>>)
    %scan3A_59 = arith.constant 0 : i32
    %scan3A_60 = arith.constant 0 : i32
    %scan3A_61 = arith.constant 80 : i32
    %scan3A_62 = arith.addi %scan3A_60, %scan3A_61 : i32
    %scan3A_63 = arith.constant 1 : i32
    scf.for %scan3A_131 = %scan3A_60 to %scan3A_62 step %scan3A_63  : i32 {
      %mul3A_132 = arith.constant 2 : i32
      %mul3A_133 = arith.muli %mul3A_132, %scan3A_131 : i32
      %add3A_134 = arith.constant 1 : i32
      %add3A_135 = arith.addi %mul3A_133, %add3A_134 : i32
      %mul3A_136 = arith.constant 128 : i32
      %mul3A_137 = arith.muli %add3A_135, %mul3A_136 : i32
      %add3A_138 = arith.addi %mul3A_29, %mul3A_137 : i32
      %run_scoped3A_139 = arith.constant 1 : i32
      "tpu.region"() ({
        %run_scoped3A_200 = tpu.sem_alloc : memref<!tpu.dma_semaphore, #tpu.memory_space<semaphore_mem>>
        %dma_start3A_201 = arith.constant 0 : i32
        %dma_start3A_202 = tpu.memref_slice %arg5[%run_scoped3A_139, %dma_start3A_201] : memref<2x128xi32, #tpu.memory_space<vmem>> -> memref<1x128xi32, #tpu.memory_space<vmem>>
        %dma_start3A_203 = tpu.memref_squeeze %dma_start3A_202 : memref<1x128xi32, #tpu.memory_space<vmem>> -> memref<128xi32, #tpu.memory_space<vmem>>
        %dma_start3A_204 = tpu.memref_slice %arg3[%add3A_138] : memref<655360xi32, #tpu.memory_space<hbm>> -> memref<128xi32, #tpu.memory_space<hbm>>
        %dma_start3A_205 = arith.constant 0 : i32
        %dma_start3A_206 = tpu.memref_slice %arg5[%run_scoped3A_139, %dma_start3A_205] : memref<2x128xi32, #tpu.memory_space<vmem>> -> memref<1x128xi32, #tpu.memory_space<vmem>>
        %dma_start3A_207 = tpu.memref_squeeze %dma_start3A_206 : memref<1x128xi32, #tpu.memory_space<vmem>> -> memref<128xi32, #tpu.memory_space<vmem>>
        %dma_start3A_208 = tpu.memref_slice %arg3[%add3A_138] : memref<655360xi32, #tpu.memory_space<hbm>> -> memref<128xi32, #tpu.memory_space<hbm>>
        tpu.enqueue_dma source(%dma_start3A_208 : memref<128xi32, #tpu.memory_space<hbm>>) target(%dma_start3A_207 : memref<128xi32, #tpu.memory_space<vmem>>) target_semaphore(%run_scoped3A_200 : memref<!tpu.dma_semaphore, #tpu.memory_space<semaphore_mem>>)
        %dma_wait3A_209 = arith.constant 0 : i32
        %dma_wait3A_210 = tpu.memref_slice %arg5[%run_scoped3A_139, %dma_wait3A_209] : memref<2x128xi32, #tpu.memory_space<vmem>> -> memref<1x128xi32, #tpu.memory_space<vmem>>
        %dma_wait3A_211 = tpu.memref_squeeze %dma_wait3A_210 : memref<1x128xi32, #tpu.memory_space<vmem>> -> memref<128xi32, #tpu.memory_space<vmem>>
        %dma_wait3A_212 = tpu.memref_slice %arg3[%add3A_138] : memref<655360xi32, #tpu.memory_space<hbm>> -> memref<128xi32, #tpu.memory_space<hbm>>
        %dma_wait3A_213 = arith.constant 0 : i32
        %dma_wait3A_214 = tpu.memref_slice %arg5[%run_scoped3A_139, %dma_wait3A_213] : memref<2x128xi32, #tpu.memory_space<vmem>> -> memref<1x128xi32, #tpu.memory_space<vmem>>
        %dma_wait3A_215 = tpu.memref_squeeze %dma_wait3A_214 : memref<1x128xi32, #tpu.memory_space<vmem>> -> memref<128xi32, #tpu.memory_space<vmem>>
        %dma_wait3A_216 = tpu.memref_slice %arg3[%add3A_138] : memref<655360xi32, #tpu.memory_space<hbm>> -> memref<128xi32, #tpu.memory_space<hbm>>
        tpu.wait_dma2 semaphore(%run_scoped3A_200 : memref<!tpu.dma_semaphore, #tpu.memory_space<semaphore_mem>>) src(%dma_wait3A_216 : memref<128xi32, #tpu.memory_space<hbm>>) dst(%dma_wait3A_215 : memref<128xi32, #tpu.memory_space<vmem>>)
        tpu.yield
      }) : () -> ()
      %mul3A_140 = arith.constant 128 : i32
      %mul3A_141 = arith.muli %add3A_135, %mul3A_140 : i32
      %add3A_142 = arith.addi %add3A_33, %mul3A_141 : i32
      %run_scoped3A_143 = arith.constant 1 : i32
      "tpu.region"() ({
        %run_scoped3A_200 = tpu.sem_alloc : memref<!tpu.dma_semaphore, #tpu.memory_space<semaphore_mem>>
        %dma_start3A_201 = arith.constant 0 : i32
        %dma_start3A_202 = tpu.memref_slice %arg6[%run_scoped3A_143, %dma_start3A_201] : memref<2x128xi32, #tpu.memory_space<vmem>> -> memref<1x128xi32, #tpu.memory_space<vmem>>
        %dma_start3A_203 = tpu.memref_squeeze %dma_start3A_202 : memref<1x128xi32, #tpu.memory_space<vmem>> -> memref<128xi32, #tpu.memory_space<vmem>>
        %dma_start3A_204 = tpu.memref_slice %arg3[%add3A_142] : memref<655360xi32, #tpu.memory_space<hbm>> -> memref<128xi32, #tpu.memory_space<hbm>>
        %dma_start3A_205 = arith.constant 0 : i32
        %dma_start3A_206 = tpu.memref_slice %arg6[%run_scoped3A_143, %dma_start3A_205] : memref<2x128xi32, #tpu.memory_space<vmem>> -> memref<1x128xi32, #tpu.memory_space<vmem>>
        %dma_start3A_207 = tpu.memref_squeeze %dma_start3A_206 : memref<1x128xi32, #tpu.memory_space<vmem>> -> memref<128xi32, #tpu.memory_space<vmem>>
        %dma_start3A_208 = tpu.memref_slice %arg3[%add3A_142] : memref<655360xi32, #tpu.memory_space<hbm>> -> memref<128xi32, #tpu.memory_space<hbm>>
        tpu.enqueue_dma source(%dma_start3A_208 : memref<128xi32, #tpu.memory_space<hbm>>) target(%dma_start3A_207 : memref<128xi32, #tpu.memory_space<vmem>>) target_semaphore(%run_scoped3A_200 : memref<!tpu.dma_semaphore, #tpu.memory_space<semaphore_mem>>)
        %dma_wait3A_209 = arith.constant 0 : i32
        %dma_wait3A_210 = tpu.memref_slice %arg6[%run_scoped3A_143, %dma_wait3A_209] : memref<2x128xi32, #tpu.memory_space<vmem>> -> memref<1x128xi32, #tpu.memory_space<vmem>>
        %dma_wait3A_211 = tpu.memref_squeeze %dma_wait3A_210 : memref<1x128xi32, #tpu.memory_space<vmem>> -> memref<128xi32, #tpu.memory_space<vmem>>
        %dma_wait3A_212 = tpu.memref_slice %arg3[%add3A_142] : memref<655360xi32, #tpu.memory_space<hbm>> -> memref<128xi32, #tpu.memory_space<hbm>>
        %dma_wait3A_213 = arith.constant 0 : i32
        %dma_wait3A_214 = tpu.memref_slice %arg6[%run_scoped3A_143, %dma_wait3A_213] : memref<2x128xi32, #tpu.memory_space<vmem>> -> memref<1x128xi32, #tpu.memory_space<vmem>>
        %dma_wait3A_215 = tpu.memref_squeeze %dma_wait3A_214 : memref<1x128xi32, #tpu.memory_space<vmem>> -> memref<128xi32, #tpu.memory_space<vmem>>
        %dma_wait3A_216 = tpu.memref_slice %arg3[%add3A_142] : memref<655360xi32, #tpu.memory_space<hbm>> -> memref<128xi32, #tpu.memory_space<hbm>>
        tpu.wait_dma2 semaphore(%run_scoped3A_200 : memref<!tpu.dma_semaphore, #tpu.memory_space<semaphore_mem>>) src(%dma_wait3A_216 : memref<128xi32, #tpu.memory_space<hbm>>) dst(%dma_wait3A_215 : memref<128xi32, #tpu.memory_space<vmem>>)
        tpu.yield
      }) : () -> ()
      %scan3A_144 = arith.constant 0 : i32
      %scan3A_145 = arith.constant 0 : i32
      %scan3A_146 = arith.constant 8 : i32
      %scan3A_147 = arith.addi %scan3A_145, %scan3A_146 : i32
      %scan3A_148 = arith.constant 1 : i32
      scf.for %scan3A_200 = %scan3A_145 to %scan3A_147 step %scan3A_148  : i32 {
        %mul3A_201 = arith.constant 16 : i32
        %mul3A_202 = arith.muli %scan3A_200, %mul3A_201 : i32
        %get3A = arith.constant 1 : i32
        %get3A_203 = arith.index_cast %get3A : i32 to index
        %get3A_204 = arith.index_cast %mul3A_202 : i32 to index
        %get3A_205 = tpu.vector_load %arg5[%get3A_203, %get3A_204] {strides = array<i32>} : memref<2x128xi32, #tpu.memory_space<vmem>>, vector<1x16xi32>,
        %get3A_206 = vector.shape_cast %get3A_205 : vector<1x16xi32> to vector<16xi32>
        %add3A_207 = vector.broadcast %mul3A_35 : i32 to vector<16xi32>
        %add3A_208 = arith.addi %get3A_206, %add3A_207 : vector<16xi32>
        %mul3A_209 = arith.constant 16 : i32
        %mul3A_210 = arith.muli %scan3A_200, %mul3A_209 : i32
        %swap3A = arith.constant 1 : i32
        %swap3A_211 = arith.index_cast %swap3A : i32 to index
        %swap3A_212 = arith.index_cast %mul3A_210 : i32 to index
        %swap3A_213 = tpu.vector_load %arg5[%swap3A_211, %swap3A_212] {strides = array<i32>} : memref<2x128xi32, #tpu.memory_space<vmem>>, vector<1x16xi32>,
        %swap3A_214 = vector.shape_cast %swap3A_213 : vector<1x16xi32> to vector<16xi32>
        %swap3A_215 = vector.shape_cast %add3A_208 : vector<16xi32> to vector<1x16xi32>
        tpu.vector_store %arg5[%swap3A_211, %swap3A_212], %swap3A_215 {strides = array<i32>} : memref<2x128xi32, #tpu.memory_space<vmem>>, vector<1x16xi32>,
      }
      %scan3A_149 = arith.constant 8 : i32
      %dma_wait3A = arith.constant 0 : i32
      %dma_wait3A_150 = arith.constant 0 : i32
      %dma_wait3A_151 = arith.constant 0 : i32
      %dma_wait3A_152 = arith.constant 0 : i32
      %dma_wait3A_153 = tpu.memref_slice %arg7[%dma_wait3A_150, %dma_wait3A_151, %dma_wait3A_152] : memref<2x128x128xf32, #tpu.memory_space<vmem>> -> memref<1x128x128xf32, #tpu.memory_space<vmem>>
      %dma_wait3A_154 = tpu.memref_squeeze %dma_wait3A_153 : memref<1x128x128xf32, #tpu.memory_space<vmem>> -> memref<128x128xf32, #tpu.memory_space<vmem>>
      %dma_wait3A_155 = arith.constant 0 : i32
      %dma_wait3A_156 = tpu.memref_slice %arg5[%dma_wait3A, %dma_wait3A_155] : memref<2x128xi32, #tpu.memory_space<vmem>> -> memref<1x128xi32, #tpu.memory_space<vmem>>
      %dma_wait3A_157 = tpu.memref_squeeze %dma_wait3A_156 : memref<1x128xi32, #tpu.memory_space<vmem>> -> memref<128xi32, #tpu.memory_space<vmem>>
      %dma_wait3A_158 = arith.constant 0 : i32
      %dma_wait3A_159 = arith.constant 0 : i32
      %dma_wait3A_160 = tpu.memref_slice %arg2[%dma_wait3A_158, %dma_wait3A_159] : memref<20480x128xf32, #tpu.memory_space<hbm>> -> memref<20480x128xf32, #tpu.memory_space<hbm>>
      tpu.wait_indirect_dma semaphore(%arg9 : memref<!tpu.dma_semaphore, #tpu.memory_space<semaphore_mem>>) src(%dma_wait3A_160 : memref<20480x128xf32, #tpu.memory_space<hbm>>) dst(%dma_wait3A_154 : memref<128x128xf32, #tpu.memory_space<vmem>>)
      %dma_start3A_161 = arith.constant 1 : i32
      %dma_start3A_162 = arith.constant 1 : i32
      %dma_start3A_163 = arith.constant 0 : i32
      %dma_start3A_164 = arith.constant 0 : i32
      %dma_start3A_165 = tpu.memref_slice %arg7[%dma_start3A_162, %dma_start3A_163, %dma_start3A_164] : memref<2x128x128xf32, #tpu.memory_space<vmem>> -> memref<1x128x128xf32, #tpu.memory_space<vmem>>
      %dma_start3A_166 = tpu.memref_squeeze %dma_start3A_165 : memref<1x128x128xf32, #tpu.memory_space<vmem>> -> memref<128x128xf32, #tpu.memory_space<vmem>>
      %dma_start3A_167 = arith.constant 0 : i32
      %dma_start3A_168 = tpu.memref_slice %arg5[%dma_start3A_161, %dma_start3A_167] : memref<2x128xi32, #tpu.memory_space<vmem>> -> memref<1x128xi32, #tpu.memory_space<vmem>>
      %dma_start3A_169 = tpu.memref_squeeze %dma_start3A_168 : memref<1x128xi32, #tpu.memory_space<vmem>> -> memref<128xi32, #tpu.memory_space<vmem>>
      %dma_start3A_170 = arith.constant 0 : i32
      %dma_start3A_171 = arith.constant 0 : i32
      %dma_start3A_172 = tpu.memref_slice %arg2[%dma_start3A_170, %dma_start3A_171] : memref<20480x128xf32, #tpu.memory_space<hbm>> -> memref<20480x128xf32, #tpu.memory_space<hbm>>
      tpu.enqueue_indirect_dma source(%dma_start3A_172 : memref<20480x128xf32, #tpu.memory_space<hbm>>) target(%dma_start3A_166 : memref<128x128xf32, #tpu.memory_space<vmem>>) offsets(%dma_start3A_169 : memref<128xi32, #tpu.memory_space<vmem>>) semaphore(%arg10 : memref<!tpu.dma_semaphore, #tpu.memory_space<semaphore_mem>>)
      %run_scoped3A_173 = arith.constant 0 : i32
      %run_scoped3A_174 = arith.constant 0 : i32
      "tpu.region"() ({
        %run_scoped3A_200 = tpu.sem_alloc : memref<!tpu.dma_semaphore, #tpu.memory_space<semaphore_mem>>
        %dma_start3A_201 = arith.constant 0 : i32
        %dma_start3A_202 = arith.constant 0 : i32
        %dma_start3A_203 = tpu.memref_slice %arg7[%run_scoped3A_173, %dma_start3A_201, %dma_start3A_202] : memref<2x128x128xf32, #tpu.memory_space<vmem>> -> memref<1x128x128xf32, #tpu.memory_space<vmem>>
        %dma_start3A_204 = tpu.memref_squeeze %dma_start3A_203 : memref<1x128x128xf32, #tpu.memory_space<vmem>> -> memref<128x128xf32, #tpu.memory_space<vmem>>
        %dma_start3A_205 = arith.constant 0 : i32
        %dma_start3A_206 = tpu.memref_slice %arg6[%run_scoped3A_174, %dma_start3A_205] : memref<2x128xi32, #tpu.memory_space<vmem>> -> memref<1x128xi32, #tpu.memory_space<vmem>>
        %dma_start3A_207 = tpu.memref_squeeze %dma_start3A_206 : memref<1x128xi32, #tpu.memory_space<vmem>> -> memref<128xi32, #tpu.memory_space<vmem>>
        %dma_start3A_208 = arith.constant 0 : i32
        %dma_start3A_209 = arith.constant 0 : i32
        %dma_start3A_210 = tpu.memref_slice %arg8[%dma_start3A_208, %dma_start3A_209] : memref<10240x128xf32, #tpu.memory_space<vmem_shared>> -> memref<10240x128xf32, #tpu.memory_space<vmem_shared>>
        tpu.enqueue_indirect_dma source(%dma_start3A_204 : memref<128x128xf32, #tpu.memory_space<vmem>>) target(%dma_start3A_210 : memref<10240x128xf32, #tpu.memory_space<vmem_shared>>) offsets(%dma_start3A_207 : memref<128xi32, #tpu.memory_space<vmem>>) semaphore(%run_scoped3A_200 : memref<!tpu.dma_semaphore, #tpu.memory_space<semaphore_mem>>) {add = true}
        %dma_wait3A_211 = arith.constant 0 : i32
        %dma_wait3A_212 = arith.constant 0 : i32
        %dma_wait3A_213 = tpu.memref_slice %arg7[%run_scoped3A_173, %dma_wait3A_211, %dma_wait3A_212] : memref<2x128x128xf32, #tpu.memory_space<vmem>> -> memref<1x128x128xf32, #tpu.memory_space<vmem>>
        %dma_wait3A_214 = tpu.memref_squeeze %dma_wait3A_213 : memref<1x128x128xf32, #tpu.memory_space<vmem>> -> memref<128x128xf32, #tpu.memory_space<vmem>>
        %dma_wait3A_215 = arith.constant 0 : i32
        %dma_wait3A_216 = tpu.memref_slice %arg6[%run_scoped3A_174, %dma_wait3A_215] : memref<2x128xi32, #tpu.memory_space<vmem>> -> memref<1x128xi32, #tpu.memory_space<vmem>>
        %dma_wait3A_217 = tpu.memref_squeeze %dma_wait3A_216 : memref<1x128xi32, #tpu.memory_space<vmem>> -> memref<128xi32, #tpu.memory_space<vmem>>
        %dma_wait3A_218 = arith.constant 0 : i32
        %dma_wait3A_219 = arith.constant 0 : i32
        %dma_wait3A_220 = tpu.memref_slice %arg8[%dma_wait3A_218, %dma_wait3A_219] : memref<10240x128xf32, #tpu.memory_space<vmem_shared>> -> memref<10240x128xf32, #tpu.memory_space<vmem_shared>>
        tpu.wait_indirect_dma semaphore(%run_scoped3A_200 : memref<!tpu.dma_semaphore, #tpu.memory_space<semaphore_mem>>) src(%dma_wait3A_214 : memref<128x128xf32, #tpu.memory_space<vmem>>) dst(%dma_wait3A_220 : memref<10240x128xf32, #tpu.memory_space<vmem_shared>>)
        tpu.yield
      }) : () -> ()
      %add3A_175 = arith.constant 2 : i32
      %add3A_176 = arith.addi %mul3A_133, %add3A_175 : i32
      %lt3A = arith.constant 160 : i32
      %lt3A_177 = arith.cmpi slt, %add3A_176, %lt3A : i32
      %convert_element_type3A = arith.extui %lt3A_177 : i1 to i32
      %cond3A = arith.constant 0 : i32
      %cond3A_178 = arith.cmpi ne, %convert_element_type3A, %cond3A : i32
      scf.if %cond3A_178 {
        %add3A_200 = arith.constant 2 : i32
        %add3A_201 = arith.addi %mul3A_133, %add3A_200 : i32
        %mul3A_202 = arith.constant 128 : i32
        %mul3A_203 = arith.muli %add3A_201, %mul3A_202 : i32
        %add3A_204 = arith.addi %mul3A_29, %mul3A_203 : i32
        %run_scoped3A_205 = arith.constant 0 : i32
        "tpu.region"() ({
          %run_scoped3A_216 = tpu.sem_alloc : memref<!tpu.dma_semaphore, #tpu.memory_space<semaphore_mem>>
          %dma_start3A_217 = arith.constant 0 : i32
          %dma_start3A_218 = tpu.memref_slice %arg5[%run_scoped3A_205, %dma_start3A_217] : memref<2x128xi32, #tpu.memory_space<vmem>> -> memref<1x128xi32, #tpu.memory_space<vmem>>
          %dma_start3A_219 = tpu.memref_squeeze %dma_start3A_218 : memref<1x128xi32, #tpu.memory_space<vmem>> -> memref<128xi32, #tpu.memory_space<vmem>>
          %dma_start3A_220 = tpu.memref_slice %arg3[%add3A_204] : memref<655360xi32, #tpu.memory_space<hbm>> -> memref<128xi32, #tpu.memory_space<hbm>>
          %dma_start3A_221 = arith.constant 0 : i32
          %dma_start3A_222 = tpu.memref_slice %arg5[%run_scoped3A_205, %dma_start3A_221] : memref<2x128xi32, #tpu.memory_space<vmem>> -> memref<1x128xi32, #tpu.memory_space<vmem>>
          %dma_start3A_223 = tpu.memref_squeeze %dma_start3A_222 : memref<1x128xi32, #tpu.memory_space<vmem>> -> memref<128xi32, #tpu.memory_space<vmem>>
          %dma_start3A_224 = tpu.memref_slice %arg3[%add3A_204] : memref<655360xi32, #tpu.memory_space<hbm>> -> memref<128xi32, #tpu.memory_space<hbm>>
          tpu.enqueue_dma source(%dma_start3A_224 : memref<128xi32, #tpu.memory_space<hbm>>) target(%dma_start3A_223 : memref<128xi32, #tpu.memory_space<vmem>>) target_semaphore(%run_scoped3A_216 : memref<!tpu.dma_semaphore, #tpu.memory_space<semaphore_mem>>)
          %dma_wait3A_225 = arith.constant 0 : i32
          %dma_wait3A_226 = tpu.memref_slice %arg5[%run_scoped3A_205, %dma_wait3A_225] : memref<2x128xi32, #tpu.memory_space<vmem>> -> memref<1x128xi32, #tpu.memory_space<vmem>>
          %dma_wait3A_227 = tpu.memref_squeeze %dma_wait3A_226 : memref<1x128xi32, #tpu.memory_space<vmem>> -> memref<128xi32, #tpu.memory_space<vmem>>
          %dma_wait3A_228 = tpu.memref_slice %arg3[%add3A_204] : memref<655360xi32, #tpu.memory_space<hbm>> -> memref<128xi32, #tpu.memory_space<hbm>>
          %dma_wait3A_229 = arith.constant 0 : i32
          %dma_wait3A_230 = tpu.memref_slice %arg5[%run_scoped3A_205, %dma_wait3A_229] : memref<2x128xi32, #tpu.memory_space<vmem>> -> memref<1x128xi32, #tpu.memory_space<vmem>>
          %dma_wait3A_231 = tpu.memref_squeeze %dma_wait3A_230 : memref<1x128xi32, #tpu.memory_space<vmem>> -> memref<128xi32, #tpu.memory_space<vmem>>
          %dma_wait3A_232 = tpu.memref_slice %arg3[%add3A_204] : memref<655360xi32, #tpu.memory_space<hbm>> -> memref<128xi32, #tpu.memory_space<hbm>>
          tpu.wait_dma2 semaphore(%run_scoped3A_216 : memref<!tpu.dma_semaphore, #tpu.memory_space<semaphore_mem>>) src(%dma_wait3A_232 : memref<128xi32, #tpu.memory_space<hbm>>) dst(%dma_wait3A_231 : memref<128xi32, #tpu.memory_space<vmem>>)
          tpu.yield
        }) : () -> ()
        %mul3A_206 = arith.constant 128 : i32
        %mul3A_207 = arith.muli %add3A_201, %mul3A_206 : i32
        %add3A_208 = arith.addi %add3A_33, %mul3A_207 : i32
        %run_scoped3A_209 = arith.constant 0 : i32
        "tpu.region"() ({
          %run_scoped3A_216 = tpu.sem_alloc : memref<!tpu.dma_semaphore, #tpu.memory_space<semaphore_mem>>
          %dma_start3A_217 = arith.constant 0 : i32
          %dma_start3A_218 = tpu.memref_slice %arg6[%run_scoped3A_209, %dma_start3A_217] : memref<2x128xi32, #tpu.memory_space<vmem>> -> memref<1x128xi32, #tpu.memory_space<vmem>>
          %dma_start3A_219 = tpu.memref_squeeze %dma_start3A_218 : memref<1x128xi32, #tpu.memory_space<vmem>> -> memref<128xi32, #tpu.memory_space<vmem>>
          %dma_start3A_220 = tpu.memref_slice %arg3[%add3A_208] : memref<655360xi32, #tpu.memory_space<hbm>> -> memref<128xi32, #tpu.memory_space<hbm>>
          %dma_start3A_221 = arith.constant 0 : i32
          %dma_start3A_222 = tpu.memref_slice %arg6[%run_scoped3A_209, %dma_start3A_221] : memref<2x128xi32, #tpu.memory_space<vmem>> -> memref<1x128xi32, #tpu.memory_space<vmem>>
          %dma_start3A_223 = tpu.memref_squeeze %dma_start3A_222 : memref<1x128xi32, #tpu.memory_space<vmem>> -> memref<128xi32, #tpu.memory_space<vmem>>
          %dma_start3A_224 = tpu.memref_slice %arg3[%add3A_208] : memref<655360xi32, #tpu.memory_space<hbm>> -> memref<128xi32, #tpu.memory_space<hbm>>
          tpu.enqueue_dma source(%dma_start3A_224 : memref<128xi32, #tpu.memory_space<hbm>>) target(%dma_start3A_223 : memref<128xi32, #tpu.memory_space<vmem>>) target_semaphore(%run_scoped3A_216 : memref<!tpu.dma_semaphore, #tpu.memory_space<semaphore_mem>>)
          %dma_wait3A_225 = arith.constant 0 : i32
          %dma_wait3A_226 = tpu.memref_slice %arg6[%run_scoped3A_209, %dma_wait3A_225] : memref<2x128xi32, #tpu.memory_space<vmem>> -> memref<1x128xi32, #tpu.memory_space<vmem>>
          %dma_wait3A_227 = tpu.memref_squeeze %dma_wait3A_226 : memref<1x128xi32, #tpu.memory_space<vmem>> -> memref<128xi32, #tpu.memory_space<vmem>>
          %dma_wait3A_228 = tpu.memref_slice %arg3[%add3A_208] : memref<655360xi32, #tpu.memory_space<hbm>> -> memref<128xi32, #tpu.memory_space<hbm>>
          %dma_wait3A_229 = arith.constant 0 : i32
          %dma_wait3A_230 = tpu.memref_slice %arg6[%run_scoped3A_209, %dma_wait3A_229] : memref<2x128xi32, #tpu.memory_space<vmem>> -> memref<1x128xi32, #tpu.memory_space<vmem>>
          %dma_wait3A_231 = tpu.memref_squeeze %dma_wait3A_230 : memref<1x128xi32, #tpu.memory_space<vmem>> -> memref<128xi32, #tpu.memory_space<vmem>>
          %dma_wait3A_232 = tpu.memref_slice %arg3[%add3A_208] : memref<655360xi32, #tpu.memory_space<hbm>> -> memref<128xi32, #tpu.memory_space<hbm>>
          tpu.wait_dma2 semaphore(%run_scoped3A_216 : memref<!tpu.dma_semaphore, #tpu.memory_space<semaphore_mem>>) src(%dma_wait3A_232 : memref<128xi32, #tpu.memory_space<hbm>>) dst(%dma_wait3A_231 : memref<128xi32, #tpu.memory_space<vmem>>)
          tpu.yield
        }) : () -> ()
        %scan3A_210 = arith.constant 0 : i32
        %scan3A_211 = arith.constant 0 : i32
        %scan3A_212 = arith.constant 8 : i32
        %scan3A_213 = arith.addi %scan3A_211, %scan3A_212 : i32
        %scan3A_214 = arith.constant 1 : i32
        scf.for %scan3A_216 = %scan3A_211 to %scan3A_213 step %scan3A_214  : i32 {
          %mul3A_217 = arith.constant 16 : i32
          %mul3A_218 = arith.muli %scan3A_216, %mul3A_217 : i32
          %get3A = arith.constant 0 : i32
          %get3A_219 = arith.index_cast %get3A : i32 to index
          %get3A_220 = arith.index_cast %mul3A_218 : i32 to index
          %get3A_221 = tpu.vector_load %arg5[%get3A_219, %get3A_220] {strides = array<i32>} : memref<2x128xi32, #tpu.memory_space<vmem>>, vector<1x16xi32>,
          %get3A_222 = vector.shape_cast %get3A_221 : vector<1x16xi32> to vector<16xi32>
          %add3A_223 = vector.broadcast %mul3A_35 : i32 to vector<16xi32>
          %add3A_224 = arith.addi %get3A_222, %add3A_223 : vector<16xi32>
          %mul3A_225 = arith.constant 16 : i32
          %mul3A_226 = arith.muli %scan3A_216, %mul3A_225 : i32
          %swap3A = arith.constant 0 : i32
          %swap3A_227 = arith.index_cast %swap3A : i32 to index
          %swap3A_228 = arith.index_cast %mul3A_226 : i32 to index
          %swap3A_229 = tpu.vector_load %arg5[%swap3A_227, %swap3A_228] {strides = array<i32>} : memref<2x128xi32, #tpu.memory_space<vmem>>, vector<1x16xi32>,
          %swap3A_230 = vector.shape_cast %swap3A_229 : vector<1x16xi32> to vector<16xi32>
          %swap3A_231 = vector.shape_cast %add3A_224 : vector<16xi32> to vector<1x16xi32>
          tpu.vector_store %arg5[%swap3A_227, %swap3A_228], %swap3A_231 {strides = array<i32>} : memref<2x128xi32, #tpu.memory_space<vmem>>, vector<1x16xi32>,
        }
        %scan3A_215 = arith.constant 8 : i32
      } else {
      }
      %dma_wait3A_179 = arith.constant 1 : i32
      %dma_wait3A_180 = arith.constant 1 : i32
      %dma_wait3A_181 = arith.constant 0 : i32
      %dma_wait3A_182 = arith.constant 0 : i32
      %dma_wait3A_183 = tpu.memref_slice %arg7[%dma_wait3A_180, %dma_wait3A_181, %dma_wait3A_182] : memref<2x128x128xf32, #tpu.memory_space<vmem>> -> memref<1x128x128xf32, #tpu.memory_space<vmem>>
      %dma_wait3A_184 = tpu.memref_squeeze %dma_wait3A_183 : memref<1x128x128xf32, #tpu.memory_space<vmem>> -> memref<128x128xf32, #tpu.memory_space<vmem>>
      %dma_wait3A_185 = arith.constant 0 : i32
      %dma_wait3A_186 = tpu.memref_slice %arg5[%dma_wait3A_179, %dma_wait3A_185] : memref<2x128xi32, #tpu.memory_space<vmem>> -> memref<1x128xi32, #tpu.memory_space<vmem>>
      %dma_wait3A_187 = tpu.memref_squeeze %dma_wait3A_186 : memref<1x128xi32, #tpu.memory_space<vmem>> -> memref<128xi32, #tpu.memory_space<vmem>>
      %dma_wait3A_188 = arith.constant 0 : i32
      %dma_wait3A_189 = arith.constant 0 : i32
      %dma_wait3A_190 = tpu.memref_slice %arg2[%dma_wait3A_188, %dma_wait3A_189] : memref<20480x128xf32, #tpu.memory_space<hbm>> -> memref<20480x128xf32, #tpu.memory_space<hbm>>
      tpu.wait_indirect_dma semaphore(%arg10 : memref<!tpu.dma_semaphore, #tpu.memory_space<semaphore_mem>>) src(%dma_wait3A_190 : memref<20480x128xf32, #tpu.memory_space<hbm>>) dst(%dma_wait3A_184 : memref<128x128xf32, #tpu.memory_space<vmem>>)
      %add3A_191 = arith.constant 2 : i32
      %add3A_192 = arith.addi %mul3A_133, %add3A_191 : i32
      %lt3A_193 = arith.constant 160 : i32
      %lt3A_194 = arith.cmpi slt, %add3A_192, %lt3A_193 : i32
      %convert_element_type3A_195 = arith.extui %lt3A_194 : i1 to i32
      %cond3A_196 = arith.constant 0 : i32
      %cond3A_197 = arith.cmpi ne, %convert_element_type3A_195, %cond3A_196 : i32
      scf.if %cond3A_197 {
        %dma_start3A_200 = arith.constant 0 : i32
        %dma_start3A_201 = arith.constant 0 : i32
        %dma_start3A_202 = arith.constant 0 : i32
        %dma_start3A_203 = arith.constant 0 : i32
        %dma_start3A_204 = tpu.memref_slice %arg7[%dma_start3A_201, %dma_start3A_202, %dma_start3A_203] : memref<2x128x128xf32, #tpu.memory_space<vmem>> -> memref<1x128x128xf32, #tpu.memory_space<vmem>>
        %dma_start3A_205 = tpu.memref_squeeze %dma_start3A_204 : memref<1x128x128xf32, #tpu.memory_space<vmem>> -> memref<128x128xf32, #tpu.memory_space<vmem>>
        %dma_start3A_206 = arith.constant 0 : i32
        %dma_start3A_207 = tpu.memref_slice %arg5[%dma_start3A_200, %dma_start3A_206] : memref<2x128xi32, #tpu.memory_space<vmem>> -> memref<1x128xi32, #tpu.memory_space<vmem>>
        %dma_start3A_208 = tpu.memref_squeeze %dma_start3A_207 : memref<1x128xi32, #tpu.memory_space<vmem>> -> memref<128xi32, #tpu.memory_space<vmem>>
        %dma_start3A_209 = arith.constant 0 : i32
        %dma_start3A_210 = arith.constant 0 : i32
        %dma_start3A_211 = tpu.memref_slice %arg2[%dma_start3A_209, %dma_start3A_210] : memref<20480x128xf32, #tpu.memory_space<hbm>> -> memref<20480x128xf32, #tpu.memory_space<hbm>>
        tpu.enqueue_indirect_dma source(%dma_start3A_211 : memref<20480x128xf32, #tpu.memory_space<hbm>>) target(%dma_start3A_205 : memref<128x128xf32, #tpu.memory_space<vmem>>) offsets(%dma_start3A_208 : memref<128xi32, #tpu.memory_space<vmem>>) semaphore(%arg9 : memref<!tpu.dma_semaphore, #tpu.memory_space<semaphore_mem>>)
      } else {
      }
      %run_scoped3A_198 = arith.constant 1 : i32
      %run_scoped3A_199 = arith.constant 1 : i32
      "tpu.region"() ({
        %run_scoped3A_200 = tpu.sem_alloc : memref<!tpu.dma_semaphore, #tpu.memory_space<semaphore_mem>>
        %dma_start3A_201 = arith.constant 0 : i32
        %dma_start3A_202 = arith.constant 0 : i32
        %dma_start3A_203 = tpu.memref_slice %arg7[%run_scoped3A_198, %dma_start3A_201, %dma_start3A_202] : memref<2x128x128xf32, #tpu.memory_space<vmem>> -> memref<1x128x128xf32, #tpu.memory_space<vmem>>
        %dma_start3A_204 = tpu.memref_squeeze %dma_start3A_203 : memref<1x128x128xf32, #tpu.memory_space<vmem>> -> memref<128x128xf32, #tpu.memory_space<vmem>>
        %dma_start3A_205 = arith.constant 0 : i32
        %dma_start3A_206 = tpu.memref_slice %arg6[%run_scoped3A_199, %dma_start3A_205] : memref<2x128xi32, #tpu.memory_space<vmem>> -> memref<1x128xi32, #tpu.memory_space<vmem>>
        %dma_start3A_207 = tpu.memref_squeeze %dma_start3A_206 : memref<1x128xi32, #tpu.memory_space<vmem>> -> memref<128xi32, #tpu.memory_space<vmem>>
        %dma_start3A_208 = arith.constant 0 : i32
        %dma_start3A_209 = arith.constant 0 : i32
        %dma_start3A_210 = tpu.memref_slice %arg8[%dma_start3A_208, %dma_start3A_209] : memref<10240x128xf32, #tpu.memory_space<vmem_shared>> -> memref<10240x128xf32, #tpu.memory_space<vmem_shared>>
        tpu.enqueue_indirect_dma source(%dma_start3A_204 : memref<128x128xf32, #tpu.memory_space<vmem>>) target(%dma_start3A_210 : memref<10240x128xf32, #tpu.memory_space<vmem_shared>>) offsets(%dma_start3A_207 : memref<128xi32, #tpu.memory_space<vmem>>) semaphore(%run_scoped3A_200 : memref<!tpu.dma_semaphore, #tpu.memory_space<semaphore_mem>>) {add = true}
        %dma_wait3A_211 = arith.constant 0 : i32
        %dma_wait3A_212 = arith.constant 0 : i32
        %dma_wait3A_213 = tpu.memref_slice %arg7[%run_scoped3A_198, %dma_wait3A_211, %dma_wait3A_212] : memref<2x128x128xf32, #tpu.memory_space<vmem>> -> memref<1x128x128xf32, #tpu.memory_space<vmem>>
        %dma_wait3A_214 = tpu.memref_squeeze %dma_wait3A_213 : memref<1x128x128xf32, #tpu.memory_space<vmem>> -> memref<128x128xf32, #tpu.memory_space<vmem>>
        %dma_wait3A_215 = arith.constant 0 : i32
        %dma_wait3A_216 = tpu.memref_slice %arg6[%run_scoped3A_199, %dma_wait3A_215] : memref<2x128xi32, #tpu.memory_space<vmem>> -> memref<1x128xi32, #tpu.memory_space<vmem>>
        %dma_wait3A_217 = tpu.memref_squeeze %dma_wait3A_216 : memref<1x128xi32, #tpu.memory_space<vmem>> -> memref<128xi32, #tpu.memory_space<vmem>>
        %dma_wait3A_218 = arith.constant 0 : i32
        %dma_wait3A_219 = arith.constant 0 : i32
        %dma_wait3A_220 = tpu.memref_slice %arg8[%dma_wait3A_218, %dma_wait3A_219] : memref<10240x128xf32, #tpu.memory_space<vmem_shared>> -> memref<10240x128xf32, #tpu.memory_space<vmem_shared>>
        tpu.wait_indirect_dma semaphore(%run_scoped3A_200 : memref<!tpu.dma_semaphore, #tpu.memory_space<semaphore_mem>>) src(%dma_wait3A_214 : memref<128x128xf32, #tpu.memory_space<vmem>>) dst(%dma_wait3A_220 : memref<10240x128xf32, #tpu.memory_space<vmem_shared>>)
        tpu.yield
      }) : () -> ()
    }
    %scan3A_64 = arith.constant 80 : i32
    %barrier3A_65 = arith.constant 0 : index
    tpu.barrier barrier_id(%barrier3A_65)
    %mul3A_66 = arith.constant 640 : i32
    %mul3A_67 = arith.muli %arg1, %mul3A_66 : i32
    %add3A_68 = arith.constant 0 : i32
    %add3A_69 = arith.addi %mul3A_67, %add3A_68 : i32
    %run_scoped3A_70 = arith.constant 0 : i32
    "tpu.region"() ({
      %run_scoped3A_131 = tpu.sem_alloc : memref<!tpu.dma_semaphore, #tpu.memory_space<semaphore_mem>>
      %dma_start3A_132 = arith.constant 0 : i32
      %dma_start3A_133 = arith.constant 0 : i32
      %dma_start3A_134 = tpu.memref_slice %arg7[%run_scoped3A_70, %dma_start3A_132, %dma_start3A_133] : memref<2x128x128xf32, #tpu.memory_space<vmem>> -> memref<1x128x128xf32, #tpu.memory_space<vmem>>
      %dma_start3A_135 = tpu.memref_squeeze %dma_start3A_134 : memref<1x128x128xf32, #tpu.memory_space<vmem>> -> memref<128x128xf32, #tpu.memory_space<vmem>>
      %dma_start3A_136 = arith.constant 0 : i32
      %dma_start3A_137 = tpu.memref_slice %arg8[%add3A_69, %dma_start3A_136] : memref<10240x128xf32, #tpu.memory_space<vmem_shared>> -> memref<128x128xf32, #tpu.memory_space<vmem_shared>>
      %dma_start3A_138 = arith.constant 0 : i32
      %dma_start3A_139 = arith.constant 0 : i32
      %dma_start3A_140 = tpu.memref_slice %arg7[%run_scoped3A_70, %dma_start3A_138, %dma_start3A_139] : memref<2x128x128xf32, #tpu.memory_space<vmem>> -> memref<1x128x128xf32, #tpu.memory_space<vmem>>
      %dma_start3A_141 = tpu.memref_squeeze %dma_start3A_140 : memref<1x128x128xf32, #tpu.memory_space<vmem>> -> memref<128x128xf32, #tpu.memory_space<vmem>>
      %dma_start3A_142 = arith.constant 0 : i32
      %dma_start3A_143 = tpu.memref_slice %arg8[%add3A_69, %dma_start3A_142] : memref<10240x128xf32, #tpu.memory_space<vmem_shared>> -> memref<128x128xf32, #tpu.memory_space<vmem_shared>>
      tpu.enqueue_dma source(%dma_start3A_143 : memref<128x128xf32, #tpu.memory_space<vmem_shared>>) target(%dma_start3A_141 : memref<128x128xf32, #tpu.memory_space<vmem>>) target_semaphore(%run_scoped3A_131 : memref<!tpu.dma_semaphore, #tpu.memory_space<semaphore_mem>>)
      %dma_wait3A = arith.constant 0 : i32
      %dma_wait3A_144 = arith.constant 0 : i32
      %dma_wait3A_145 = tpu.memref_slice %arg7[%run_scoped3A_70, %dma_wait3A, %dma_wait3A_144] : memref<2x128x128xf32, #tpu.memory_space<vmem>> -> memref<1x128x128xf32, #tpu.memory_space<vmem>>
      %dma_wait3A_146 = tpu.memref_squeeze %dma_wait3A_145 : memref<1x128x128xf32, #tpu.memory_space<vmem>> -> memref<128x128xf32, #tpu.memory_space<vmem>>
      %dma_wait3A_147 = arith.constant 0 : i32
      %dma_wait3A_148 = tpu.memref_slice %arg8[%add3A_69, %dma_wait3A_147] : memref<10240x128xf32, #tpu.memory_space<vmem_shared>> -> memref<128x128xf32, #tpu.memory_space<vmem_shared>>
      %dma_wait3A_149 = arith.constant 0 : i32
      %dma_wait3A_150 = arith.constant 0 : i32
      %dma_wait3A_151 = tpu.memref_slice %arg7[%run_scoped3A_70, %dma_wait3A_149, %dma_wait3A_150] : memref<2x128x128xf32, #tpu.memory_space<vmem>> -> memref<1x128x128xf32, #tpu.memory_space<vmem>>
      %dma_wait3A_152 = tpu.memref_squeeze %dma_wait3A_151 : memref<1x128x128xf32, #tpu.memory_space<vmem>> -> memref<128x128xf32, #tpu.memory_space<vmem>>
      %dma_wait3A_153 = arith.constant 0 : i32
      %dma_wait3A_154 = tpu.memref_slice %arg8[%add3A_69, %dma_wait3A_153] : memref<10240x128xf32, #tpu.memory_space<vmem_shared>> -> memref<128x128xf32, #tpu.memory_space<vmem_shared>>
      tpu.wait_dma2 semaphore(%run_scoped3A_131 : memref<!tpu.dma_semaphore, #tpu.memory_space<semaphore_mem>>) src(%dma_wait3A_154 : memref<128x128xf32, #tpu.memory_space<vmem_shared>>) dst(%dma_wait3A_152 : memref<128x128xf32, #tpu.memory_space<vmem>>)
      tpu.yield
    }) : () -> ()
    %mul3A_71 = arith.constant 10240 : i32
    %mul3A_72 = arith.muli %arg0, %mul3A_71 : i32
    %mul3A_73 = arith.constant 640 : i32
    %mul3A_74 = arith.muli %arg1, %mul3A_73 : i32
    %add3A_75 = arith.addi %mul3A_72, %mul3A_74 : i32
    %add3A_76 = arith.constant 0 : i32
    %add3A_77 = arith.addi %add3A_75, %add3A_76 : i32
    %run_scoped3A_78 = arith.constant 0 : i32
    "tpu.region"() ({
      %run_scoped3A_131 = tpu.sem_alloc : memref<!tpu.dma_semaphore, #tpu.memory_space<semaphore_mem>>
      %dma_start3A_132 = arith.constant 0 : i32
      %dma_start3A_133 = arith.constant 0 : i32
      %dma_start3A_134 = tpu.memref_slice %arg7[%run_scoped3A_78, %dma_start3A_132, %dma_start3A_133] : memref<2x128x128xf32, #tpu.memory_space<vmem>> -> memref<1x128x128xf32, #tpu.memory_space<vmem>>
      %dma_start3A_135 = tpu.memref_squeeze %dma_start3A_134 : memref<1x128x128xf32, #tpu.memory_space<vmem>> -> memref<128x128xf32, #tpu.memory_space<vmem>>
      %dma_start3A_136 = arith.constant 0 : i32
      %dma_start3A_137 = tpu.memref_slice %arg4[%add3A_77, %dma_start3A_136] : memref<20480x128xf32, #tpu.memory_space<hbm>> -> memref<128x128xf32, #tpu.memory_space<hbm>>
      %dma_start3A_138 = arith.constant 0 : i32
      %dma_start3A_139 = tpu.memref_slice %arg4[%add3A_77, %dma_start3A_138] : memref<20480x128xf32, #tpu.memory_space<hbm>> -> memref<128x128xf32, #tpu.memory_space<hbm>>
      %dma_start3A_140 = arith.constant 0 : i32
      %dma_start3A_141 = arith.constant 0 : i32
      %dma_start3A_142 = tpu.memref_slice %arg7[%run_scoped3A_78, %dma_start3A_140, %dma_start3A_141] : memref<2x128x128xf32, #tpu.memory_space<vmem>> -> memref<1x128x128xf32, #tpu.memory_space<vmem>>
      %dma_start3A_143 = tpu.memref_squeeze %dma_start3A_142 : memref<1x128x128xf32, #tpu.memory_space<vmem>> -> memref<128x128xf32, #tpu.memory_space<vmem>>
      tpu.enqueue_dma source(%dma_start3A_143 : memref<128x128xf32, #tpu.memory_space<vmem>>) target(%dma_start3A_139 : memref<128x128xf32, #tpu.memory_space<hbm>>) target_semaphore(%run_scoped3A_131 : memref<!tpu.dma_semaphore, #tpu.memory_space<semaphore_mem>>)
      %dma_wait3A = arith.constant 0 : i32
      %dma_wait3A_144 = arith.constant 0 : i32
      %dma_wait3A_145 = tpu.memref_slice %arg7[%run_scoped3A_78, %dma_wait3A, %dma_wait3A_144] : memref<2x128x128xf32, #tpu.memory_space<vmem>> -> memref<1x128x128xf32, #tpu.memory_space<vmem>>
      %dma_wait3A_146 = tpu.memref_squeeze %dma_wait3A_145 : memref<1x128x128xf32, #tpu.memory_space<vmem>> -> memref<128x128xf32, #tpu.memory_space<vmem>>
      %dma_wait3A_147 = arith.constant 0 : i32
      %dma_wait3A_148 = tpu.memref_slice %arg4[%add3A_77, %dma_wait3A_147] : memref<20480x128xf32, #tpu.memory_space<hbm>> -> memref<128x128xf32, #tpu.memory_space<hbm>>
      %dma_wait3A_149 = arith.constant 0 : i32
      %dma_wait3A_150 = tpu.memref_slice %arg4[%add3A_77, %dma_wait3A_149] : memref<20480x128xf32, #tpu.memory_space<hbm>> -> memref<128x128xf32, #tpu.memory_space<hbm>>
      %dma_wait3A_151 = arith.constant 0 : i32
      %dma_wait3A_152 = arith.constant 0 : i32
      %dma_wait3A_153 = tpu.memref_slice %arg7[%run_scoped3A_78, %dma_wait3A_151, %dma_wait3A_152] : memref<2x128x128xf32, #tpu.memory_space<vmem>> -> memref<1x128x128xf32, #tpu.memory_space<vmem>>
      %dma_wait3A_154 = tpu.memref_squeeze %dma_wait3A_153 : memref<1x128x128xf32, #tpu.memory_space<vmem>> -> memref<128x128xf32, #tpu.memory_space<vmem>>
      tpu.wait_dma2 semaphore(%run_scoped3A_131 : memref<!tpu.dma_semaphore, #tpu.memory_space<semaphore_mem>>) src(%dma_wait3A_154 : memref<128x128xf32, #tpu.memory_space<vmem>>) dst(%dma_wait3A_150 : memref<128x128xf32, #tpu.memory_space<hbm>>)
      tpu.yield
    }) : () -> ()
    %mul3A_79 = arith.constant 640 : i32
    %mul3A_80 = arith.muli %arg1, %mul3A_79 : i32
    %add3A_81 = arith.constant 128 : i32
    %add3A_82 = arith.addi %mul3A_80, %add3A_81 : i32
    %run_scoped3A_83 = arith.constant 0 : i32
    "tpu.region"() ({
      %run_scoped3A_131 = tpu.sem_alloc : memref<!tpu.dma_semaphore, #tpu.memory_space<semaphore_mem>>
      %dma_start3A_132 = arith.constant 0 : i32
      %dma_start3A_133 = arith.constant 0 : i32
      %dma_start3A_134 = tpu.memref_slice %arg7[%run_scoped3A_83, %dma_start3A_132, %dma_start3A_133] : memref<2x128x128xf32, #tpu.memory_space<vmem>> -> memref<1x128x128xf32, #tpu.memory_space<vmem>>
      %dma_start3A_135 = tpu.memref_squeeze %dma_start3A_134 : memref<1x128x128xf32, #tpu.memory_space<vmem>> -> memref<128x128xf32, #tpu.memory_space<vmem>>
      %dma_start3A_136 = arith.constant 0 : i32
      %dma_start3A_137 = tpu.memref_slice %arg8[%add3A_82, %dma_start3A_136] : memref<10240x128xf32, #tpu.memory_space<vmem_shared>> -> memref<128x128xf32, #tpu.memory_space<vmem_shared>>
      %dma_start3A_138 = arith.constant 0 : i32
      %dma_start3A_139 = arith.constant 0 : i32
      %dma_start3A_140 = tpu.memref_slice %arg7[%run_scoped3A_83, %dma_start3A_138, %dma_start3A_139] : memref<2x128x128xf32, #tpu.memory_space<vmem>> -> memref<1x128x128xf32, #tpu.memory_space<vmem>>
      %dma_start3A_141 = tpu.memref_squeeze %dma_start3A_140 : memref<1x128x128xf32, #tpu.memory_space<vmem>> -> memref<128x128xf32, #tpu.memory_space<vmem>>
      %dma_start3A_142 = arith.constant 0 : i32
      %dma_start3A_143 = tpu.memref_slice %arg8[%add3A_82, %dma_start3A_142] : memref<10240x128xf32, #tpu.memory_space<vmem_shared>> -> memref<128x128xf32, #tpu.memory_space<vmem_shared>>
      tpu.enqueue_dma source(%dma_start3A_143 : memref<128x128xf32, #tpu.memory_space<vmem_shared>>) target(%dma_start3A_141 : memref<128x128xf32, #tpu.memory_space<vmem>>) target_semaphore(%run_scoped3A_131 : memref<!tpu.dma_semaphore, #tpu.memory_space<semaphore_mem>>)
      %dma_wait3A = arith.constant 0 : i32
      %dma_wait3A_144 = arith.constant 0 : i32
      %dma_wait3A_145 = tpu.memref_slice %arg7[%run_scoped3A_83, %dma_wait3A, %dma_wait3A_144] : memref<2x128x128xf32, #tpu.memory_space<vmem>> -> memref<1x128x128xf32, #tpu.memory_space<vmem>>
      %dma_wait3A_146 = tpu.memref_squeeze %dma_wait3A_145 : memref<1x128x128xf32, #tpu.memory_space<vmem>> -> memref<128x128xf32, #tpu.memory_space<vmem>>
      %dma_wait3A_147 = arith.constant 0 : i32
      %dma_wait3A_148 = tpu.memref_slice %arg8[%add3A_82, %dma_wait3A_147] : memref<10240x128xf32, #tpu.memory_space<vmem_shared>> -> memref<128x128xf32, #tpu.memory_space<vmem_shared>>
      %dma_wait3A_149 = arith.constant 0 : i32
      %dma_wait3A_150 = arith.constant 0 : i32
      %dma_wait3A_151 = tpu.memref_slice %arg7[%run_scoped3A_83, %dma_wait3A_149, %dma_wait3A_150] : memref<2x128x128xf32, #tpu.memory_space<vmem>> -> memref<1x128x128xf32, #tpu.memory_space<vmem>>
      %dma_wait3A_152 = tpu.memref_squeeze %dma_wait3A_151 : memref<1x128x128xf32, #tpu.memory_space<vmem>> -> memref<128x128xf32, #tpu.memory_space<vmem>>
      %dma_wait3A_153 = arith.constant 0 : i32
      %dma_wait3A_154 = tpu.memref_slice %arg8[%add3A_82, %dma_wait3A_153] : memref<10240x128xf32, #tpu.memory_space<vmem_shared>> -> memref<128x128xf32, #tpu.memory_space<vmem_shared>>
      tpu.wait_dma2 semaphore(%run_scoped3A_131 : memref<!tpu.dma_semaphore, #tpu.memory_space<semaphore_mem>>) src(%dma_wait3A_154 : memref<128x128xf32, #tpu.memory_space<vmem_shared>>) dst(%dma_wait3A_152 : memref<128x128xf32, #tpu.memory_space<vmem>>)
      tpu.yield
    }) : () -> ()
    %mul3A_84 = arith.constant 10240 : i32
    %mul3A_85 = arith.muli %arg0, %mul3A_84 : i32
    %mul3A_86 = arith.constant 640 : i32
    %mul3A_87 = arith.muli %arg1, %mul3A_86 : i32
    %add3A_88 = arith.addi %mul3A_85, %mul3A_87 : i32
    %add3A_89 = arith.constant 128 : i32
    %add3A_90 = arith.addi %add3A_88, %add3A_89 : i32
    %run_scoped3A_91 = arith.constant 0 : i32
    "tpu.region"() ({
      %run_scoped3A_131 = tpu.sem_alloc : memref<!tpu.dma_semaphore, #tpu.memory_space<semaphore_mem>>
      %dma_start3A_132 = arith.constant 0 : i32
      %dma_start3A_133 = arith.constant 0 : i32
      %dma_start3A_134 = tpu.memref_slice %arg7[%run_scoped3A_91, %dma_start3A_132, %dma_start3A_133] : memref<2x128x128xf32, #tpu.memory_space<vmem>> -> memref<1x128x128xf32, #tpu.memory_space<vmem>>
      %dma_start3A_135 = tpu.memref_squeeze %dma_start3A_134 : memref<1x128x128xf32, #tpu.memory_space<vmem>> -> memref<128x128xf32, #tpu.memory_space<vmem>>
      %dma_start3A_136 = arith.constant 0 : i32
      %dma_start3A_137 = tpu.memref_slice %arg4[%add3A_90, %dma_start3A_136] : memref<20480x128xf32, #tpu.memory_space<hbm>> -> memref<128x128xf32, #tpu.memory_space<hbm>>
      %dma_start3A_138 = arith.constant 0 : i32
      %dma_start3A_139 = tpu.memref_slice %arg4[%add3A_90, %dma_start3A_138] : memref<20480x128xf32, #tpu.memory_space<hbm>> -> memref<128x128xf32, #tpu.memory_space<hbm>>
      %dma_start3A_140 = arith.constant 0 : i32
      %dma_start3A_141 = arith.constant 0 : i32
      %dma_start3A_142 = tpu.memref_slice %arg7[%run_scoped3A_91, %dma_start3A_140, %dma_start3A_141] : memref<2x128x128xf32, #tpu.memory_space<vmem>> -> memref<1x128x128xf32, #tpu.memory_space<vmem>>
      %dma_start3A_143 = tpu.memref_squeeze %dma_start3A_142 : memref<1x128x128xf32, #tpu.memory_space<vmem>> -> memref<128x128xf32, #tpu.memory_space<vmem>>
      tpu.enqueue_dma source(%dma_start3A_143 : memref<128x128xf32, #tpu.memory_space<vmem>>) target(%dma_start3A_139 : memref<128x128xf32, #tpu.memory_space<hbm>>) target_semaphore(%run_scoped3A_131 : memref<!tpu.dma_semaphore, #tpu.memory_space<semaphore_mem>>)
      %dma_wait3A = arith.constant 0 : i32
      %dma_wait3A_144 = arith.constant 0 : i32
      %dma_wait3A_145 = tpu.memref_slice %arg7[%run_scoped3A_91, %dma_wait3A, %dma_wait3A_144] : memref<2x128x128xf32, #tpu.memory_space<vmem>> -> memref<1x128x128xf32, #tpu.memory_space<vmem>>
      %dma_wait3A_146 = tpu.memref_squeeze %dma_wait3A_145 : memref<1x128x128xf32, #tpu.memory_space<vmem>> -> memref<128x128xf32, #tpu.memory_space<vmem>>
      %dma_wait3A_147 = arith.constant 0 : i32
      %dma_wait3A_148 = tpu.memref_slice %arg4[%add3A_90, %dma_wait3A_147] : memref<20480x128xf32, #tpu.memory_space<hbm>> -> memref<128x128xf32, #tpu.memory_space<hbm>>
      %dma_wait3A_149 = arith.constant 0 : i32
      %dma_wait3A_150 = tpu.memref_slice %arg4[%add3A_90, %dma_wait3A_149] : memref<20480x128xf32, #tpu.memory_space<hbm>> -> memref<128x128xf32, #tpu.memory_space<hbm>>
      %dma_wait3A_151 = arith.constant 0 : i32
      %dma_wait3A_152 = arith.constant 0 : i32
      %dma_wait3A_153 = tpu.memref_slice %arg7[%run_scoped3A_91, %dma_wait3A_151, %dma_wait3A_152] : memref<2x128x128xf32, #tpu.memory_space<vmem>> -> memref<1x128x128xf32, #tpu.memory_space<vmem>>
      %dma_wait3A_154 = tpu.memref_squeeze %dma_wait3A_153 : memref<1x128x128xf32, #tpu.memory_space<vmem>> -> memref<128x128xf32, #tpu.memory_space<vmem>>
      tpu.wait_dma2 semaphore(%run_scoped3A_131 : memref<!tpu.dma_semaphore, #tpu.memory_space<semaphore_mem>>) src(%dma_wait3A_154 : memref<128x128xf32, #tpu.memory_space<vmem>>) dst(%dma_wait3A_150 : memref<128x128xf32, #tpu.memory_space<hbm>>)
      tpu.yield
    }) : () -> ()
    %mul3A_92 = arith.constant 640 : i32
    %mul3A_93 = arith.muli %arg1, %mul3A_92 : i32
    %add3A_94 = arith.constant 256 : i32
    %add3A_95 = arith.addi %mul3A_93, %add3A_94 : i32
    %run_scoped3A_96 = arith.constant 0 : i32
    "tpu.region"() ({
      %run_scoped3A_131 = tpu.sem_alloc : memref<!tpu.dma_semaphore, #tpu.memory_space<semaphore_mem>>
      %dma_start3A_132 = arith.constant 0 : i32
      %dma_start3A_133 = arith.constant 0 : i32
      %dma_start3A_134 = tpu.memref_slice %arg7[%run_scoped3A_96, %dma_start3A_132, %dma_start3A_133] : memref<2x128x128xf32, #tpu.memory_space<vmem>> -> memref<1x128x128xf32, #tpu.memory_space<vmem>>
      %dma_start3A_135 = tpu.memref_squeeze %dma_start3A_134 : memref<1x128x128xf32, #tpu.memory_space<vmem>> -> memref<128x128xf32, #tpu.memory_space<vmem>>
      %dma_start3A_136 = arith.constant 0 : i32
      %dma_start3A_137 = tpu.memref_slice %arg8[%add3A_95, %dma_start3A_136] : memref<10240x128xf32, #tpu.memory_space<vmem_shared>> -> memref<128x128xf32, #tpu.memory_space<vmem_shared>>
      %dma_start3A_138 = arith.constant 0 : i32
      %dma_start3A_139 = arith.constant 0 : i32
      %dma_start3A_140 = tpu.memref_slice %arg7[%run_scoped3A_96, %dma_start3A_138, %dma_start3A_139] : memref<2x128x128xf32, #tpu.memory_space<vmem>> -> memref<1x128x128xf32, #tpu.memory_space<vmem>>
      %dma_start3A_141 = tpu.memref_squeeze %dma_start3A_140 : memref<1x128x128xf32, #tpu.memory_space<vmem>> -> memref<128x128xf32, #tpu.memory_space<vmem>>
      %dma_start3A_142 = arith.constant 0 : i32
      %dma_start3A_143 = tpu.memref_slice %arg8[%add3A_95, %dma_start3A_142] : memref<10240x128xf32, #tpu.memory_space<vmem_shared>> -> memref<128x128xf32, #tpu.memory_space<vmem_shared>>
      tpu.enqueue_dma source(%dma_start3A_143 : memref<128x128xf32, #tpu.memory_space<vmem_shared>>) target(%dma_start3A_141 : memref<128x128xf32, #tpu.memory_space<vmem>>) target_semaphore(%run_scoped3A_131 : memref<!tpu.dma_semaphore, #tpu.memory_space<semaphore_mem>>)
      %dma_wait3A = arith.constant 0 : i32
      %dma_wait3A_144 = arith.constant 0 : i32
      %dma_wait3A_145 = tpu.memref_slice %arg7[%run_scoped3A_96, %dma_wait3A, %dma_wait3A_144] : memref<2x128x128xf32, #tpu.memory_space<vmem>> -> memref<1x128x128xf32, #tpu.memory_space<vmem>>
      %dma_wait3A_146 = tpu.memref_squeeze %dma_wait3A_145 : memref<1x128x128xf32, #tpu.memory_space<vmem>> -> memref<128x128xf32, #tpu.memory_space<vmem>>
      %dma_wait3A_147 = arith.constant 0 : i32
      %dma_wait3A_148 = tpu.memref_slice %arg8[%add3A_95, %dma_wait3A_147] : memref<10240x128xf32, #tpu.memory_space<vmem_shared>> -> memref<128x128xf32, #tpu.memory_space<vmem_shared>>
      %dma_wait3A_149 = arith.constant 0 : i32
      %dma_wait3A_150 = arith.constant 0 : i32
      %dma_wait3A_151 = tpu.memref_slice %arg7[%run_scoped3A_96, %dma_wait3A_149, %dma_wait3A_150] : memref<2x128x128xf32, #tpu.memory_space<vmem>> -> memref<1x128x128xf32, #tpu.memory_space<vmem>>
      %dma_wait3A_152 = tpu.memref_squeeze %dma_wait3A_151 : memref<1x128x128xf32, #tpu.memory_space<vmem>> -> memref<128x128xf32, #tpu.memory_space<vmem>>
      %dma_wait3A_153 = arith.constant 0 : i32
      %dma_wait3A_154 = tpu.memref_slice %arg8[%add3A_95, %dma_wait3A_153] : memref<10240x128xf32, #tpu.memory_space<vmem_shared>> -> memref<128x128xf32, #tpu.memory_space<vmem_shared>>
      tpu.wait_dma2 semaphore(%run_scoped3A_131 : memref<!tpu.dma_semaphore, #tpu.memory_space<semaphore_mem>>) src(%dma_wait3A_154 : memref<128x128xf32, #tpu.memory_space<vmem_shared>>) dst(%dma_wait3A_152 : memref<128x128xf32, #tpu.memory_space<vmem>>)
      tpu.yield
    }) : () -> ()
    %mul3A_97 = arith.constant 10240 : i32
    %mul3A_98 = arith.muli %arg0, %mul3A_97 : i32
    %mul3A_99 = arith.constant 640 : i32
    %mul3A_100 = arith.muli %arg1, %mul3A_99 : i32
    %add3A_101 = arith.addi %mul3A_98, %mul3A_100 : i32
    %add3A_102 = arith.constant 256 : i32
    %add3A_103 = arith.addi %add3A_101, %add3A_102 : i32
    %run_scoped3A_104 = arith.constant 0 : i32
    "tpu.region"() ({
      %run_scoped3A_131 = tpu.sem_alloc : memref<!tpu.dma_semaphore, #tpu.memory_space<semaphore_mem>>
      %dma_start3A_132 = arith.constant 0 : i32
      %dma_start3A_133 = arith.constant 0 : i32
      %dma_start3A_134 = tpu.memref_slice %arg7[%run_scoped3A_104, %dma_start3A_132, %dma_start3A_133] : memref<2x128x128xf32, #tpu.memory_space<vmem>> -> memref<1x128x128xf32, #tpu.memory_space<vmem>>
      %dma_start3A_135 = tpu.memref_squeeze %dma_start3A_134 : memref<1x128x128xf32, #tpu.memory_space<vmem>> -> memref<128x128xf32, #tpu.memory_space<vmem>>
      %dma_start3A_136 = arith.constant 0 : i32
      %dma_start3A_137 = tpu.memref_slice %arg4[%add3A_103, %dma_start3A_136] : memref<20480x128xf32, #tpu.memory_space<hbm>> -> memref<128x128xf32, #tpu.memory_space<hbm>>
      %dma_start3A_138 = arith.constant 0 : i32
      %dma_start3A_139 = tpu.memref_slice %arg4[%add3A_103, %dma_start3A_138] : memref<20480x128xf32, #tpu.memory_space<hbm>> -> memref<128x128xf32, #tpu.memory_space<hbm>>
      %dma_start3A_140 = arith.constant 0 : i32
      %dma_start3A_141 = arith.constant 0 : i32
      %dma_start3A_142 = tpu.memref_slice %arg7[%run_scoped3A_104, %dma_start3A_140, %dma_start3A_141] : memref<2x128x128xf32, #tpu.memory_space<vmem>> -> memref<1x128x128xf32, #tpu.memory_space<vmem>>
      %dma_start3A_143 = tpu.memref_squeeze %dma_start3A_142 : memref<1x128x128xf32, #tpu.memory_space<vmem>> -> memref<128x128xf32, #tpu.memory_space<vmem>>
      tpu.enqueue_dma source(%dma_start3A_143 : memref<128x128xf32, #tpu.memory_space<vmem>>) target(%dma_start3A_139 : memref<128x128xf32, #tpu.memory_space<hbm>>) target_semaphore(%run_scoped3A_131 : memref<!tpu.dma_semaphore, #tpu.memory_space<semaphore_mem>>)
      %dma_wait3A = arith.constant 0 : i32
      %dma_wait3A_144 = arith.constant 0 : i32
      %dma_wait3A_145 = tpu.memref_slice %arg7[%run_scoped3A_104, %dma_wait3A, %dma_wait3A_144] : memref<2x128x128xf32, #tpu.memory_space<vmem>> -> memref<1x128x128xf32, #tpu.memory_space<vmem>>
      %dma_wait3A_146 = tpu.memref_squeeze %dma_wait3A_145 : memref<1x128x128xf32, #tpu.memory_space<vmem>> -> memref<128x128xf32, #tpu.memory_space<vmem>>
      %dma_wait3A_147 = arith.constant 0 : i32
      %dma_wait3A_148 = tpu.memref_slice %arg4[%add3A_103, %dma_wait3A_147] : memref<20480x128xf32, #tpu.memory_space<hbm>> -> memref<128x128xf32, #tpu.memory_space<hbm>>
      %dma_wait3A_149 = arith.constant 0 : i32
      %dma_wait3A_150 = tpu.memref_slice %arg4[%add3A_103, %dma_wait3A_149] : memref<20480x128xf32, #tpu.memory_space<hbm>> -> memref<128x128xf32, #tpu.memory_space<hbm>>
      %dma_wait3A_151 = arith.constant 0 : i32
      %dma_wait3A_152 = arith.constant 0 : i32
      %dma_wait3A_153 = tpu.memref_slice %arg7[%run_scoped3A_104, %dma_wait3A_151, %dma_wait3A_152] : memref<2x128x128xf32, #tpu.memory_space<vmem>> -> memref<1x128x128xf32, #tpu.memory_space<vmem>>
      %dma_wait3A_154 = tpu.memref_squeeze %dma_wait3A_153 : memref<1x128x128xf32, #tpu.memory_space<vmem>> -> memref<128x128xf32, #tpu.memory_space<vmem>>
      tpu.wait_dma2 semaphore(%run_scoped3A_131 : memref<!tpu.dma_semaphore, #tpu.memory_space<semaphore_mem>>) src(%dma_wait3A_154 : memref<128x128xf32, #tpu.memory_space<vmem>>) dst(%dma_wait3A_150 : memref<128x128xf32, #tpu.memory_space<hbm>>)
      tpu.yield
    }) : () -> ()
    %mul3A_105 = arith.constant 640 : i32
    %mul3A_106 = arith.muli %arg1, %mul3A_105 : i32
    %add3A_107 = arith.constant 384 : i32
    %add3A_108 = arith.addi %mul3A_106, %add3A_107 : i32
    %run_scoped3A_109 = arith.constant 0 : i32
    "tpu.region"() ({
      %run_scoped3A_131 = tpu.sem_alloc : memref<!tpu.dma_semaphore, #tpu.memory_space<semaphore_mem>>
      %dma_start3A_132 = arith.constant 0 : i32
      %dma_start3A_133 = arith.constant 0 : i32
      %dma_start3A_134 = tpu.memref_slice %arg7[%run_scoped3A_109, %dma_start3A_132, %dma_start3A_133] : memref<2x128x128xf32, #tpu.memory_space<vmem>> -> memref<1x128x128xf32, #tpu.memory_space<vmem>>
      %dma_start3A_135 = tpu.memref_squeeze %dma_start3A_134 : memref<1x128x128xf32, #tpu.memory_space<vmem>> -> memref<128x128xf32, #tpu.memory_space<vmem>>
      %dma_start3A_136 = arith.constant 0 : i32
      %dma_start3A_137 = tpu.memref_slice %arg8[%add3A_108, %dma_start3A_136] : memref<10240x128xf32, #tpu.memory_space<vmem_shared>> -> memref<128x128xf32, #tpu.memory_space<vmem_shared>>
      %dma_start3A_138 = arith.constant 0 : i32
      %dma_start3A_139 = arith.constant 0 : i32
      %dma_start3A_140 = tpu.memref_slice %arg7[%run_scoped3A_109, %dma_start3A_138, %dma_start3A_139] : memref<2x128x128xf32, #tpu.memory_space<vmem>> -> memref<1x128x128xf32, #tpu.memory_space<vmem>>
      %dma_start3A_141 = tpu.memref_squeeze %dma_start3A_140 : memref<1x128x128xf32, #tpu.memory_space<vmem>> -> memref<128x128xf32, #tpu.memory_space<vmem>>
      %dma_start3A_142 = arith.constant 0 : i32
      %dma_start3A_143 = tpu.memref_slice %arg8[%add3A_108, %dma_start3A_142] : memref<10240x128xf32, #tpu.memory_space<vmem_shared>> -> memref<128x128xf32, #tpu.memory_space<vmem_shared>>
      tpu.enqueue_dma source(%dma_start3A_143 : memref<128x128xf32, #tpu.memory_space<vmem_shared>>) target(%dma_start3A_141 : memref<128x128xf32, #tpu.memory_space<vmem>>) target_semaphore(%run_scoped3A_131 : memref<!tpu.dma_semaphore, #tpu.memory_space<semaphore_mem>>)
      %dma_wait3A = arith.constant 0 : i32
      %dma_wait3A_144 = arith.constant 0 : i32
      %dma_wait3A_145 = tpu.memref_slice %arg7[%run_scoped3A_109, %dma_wait3A, %dma_wait3A_144] : memref<2x128x128xf32, #tpu.memory_space<vmem>> -> memref<1x128x128xf32, #tpu.memory_space<vmem>>
      %dma_wait3A_146 = tpu.memref_squeeze %dma_wait3A_145 : memref<1x128x128xf32, #tpu.memory_space<vmem>> -> memref<128x128xf32, #tpu.memory_space<vmem>>
      %dma_wait3A_147 = arith.constant 0 : i32
      %dma_wait3A_148 = tpu.memref_slice %arg8[%add3A_108, %dma_wait3A_147] : memref<10240x128xf32, #tpu.memory_space<vmem_shared>> -> memref<128x128xf32, #tpu.memory_space<vmem_shared>>
      %dma_wait3A_149 = arith.constant 0 : i32
      %dma_wait3A_150 = arith.constant 0 : i32
      %dma_wait3A_151 = tpu.memref_slice %arg7[%run_scoped3A_109, %dma_wait3A_149, %dma_wait3A_150] : memref<2x128x128xf32, #tpu.memory_space<vmem>> -> memref<1x128x128xf32, #tpu.memory_space<vmem>>
      %dma_wait3A_152 = tpu.memref_squeeze %dma_wait3A_151 : memref<1x128x128xf32, #tpu.memory_space<vmem>> -> memref<128x128xf32, #tpu.memory_space<vmem>>
      %dma_wait3A_153 = arith.constant 0 : i32
      %dma_wait3A_154 = tpu.memref_slice %arg8[%add3A_108, %dma_wait3A_153] : memref<10240x128xf32, #tpu.memory_space<vmem_shared>> -> memref<128x128xf32, #tpu.memory_space<vmem_shared>>
      tpu.wait_dma2 semaphore(%run_scoped3A_131 : memref<!tpu.dma_semaphore, #tpu.memory_space<semaphore_mem>>) src(%dma_wait3A_154 : memref<128x128xf32, #tpu.memory_space<vmem_shared>>) dst(%dma_wait3A_152 : memref<128x128xf32, #tpu.memory_space<vmem>>)
      tpu.yield
    }) : () -> ()
    %mul3A_110 = arith.constant 10240 : i32
    %mul3A_111 = arith.muli %arg0, %mul3A_110 : i32
    %mul3A_112 = arith.constant 640 : i32
    %mul3A_113 = arith.muli %arg1, %mul3A_112 : i32
    %add3A_114 = arith.addi %mul3A_111, %mul3A_113 : i32
    %add3A_115 = arith.constant 384 : i32
    %add3A_116 = arith.addi %add3A_114, %add3A_115 : i32
    %run_scoped3A_117 = arith.constant 0 : i32
    "tpu.region"() ({
      %run_scoped3A_131 = tpu.sem_alloc : memref<!tpu.dma_semaphore, #tpu.memory_space<semaphore_mem>>
      %dma_start3A_132 = arith.constant 0 : i32
      %dma_start3A_133 = arith.constant 0 : i32
      %dma_start3A_134 = tpu.memref_slice %arg7[%run_scoped3A_117, %dma_start3A_132, %dma_start3A_133] : memref<2x128x128xf32, #tpu.memory_space<vmem>> -> memref<1x128x128xf32, #tpu.memory_space<vmem>>
      %dma_start3A_135 = tpu.memref_squeeze %dma_start3A_134 : memref<1x128x128xf32, #tpu.memory_space<vmem>> -> memref<128x128xf32, #tpu.memory_space<vmem>>
      %dma_start3A_136 = arith.constant 0 : i32
      %dma_start3A_137 = tpu.memref_slice %arg4[%add3A_116, %dma_start3A_136] : memref<20480x128xf32, #tpu.memory_space<hbm>> -> memref<128x128xf32, #tpu.memory_space<hbm>>
      %dma_start3A_138 = arith.constant 0 : i32
      %dma_start3A_139 = tpu.memref_slice %arg4[%add3A_116, %dma_start3A_138] : memref<20480x128xf32, #tpu.memory_space<hbm>> -> memref<128x128xf32, #tpu.memory_space<hbm>>
      %dma_start3A_140 = arith.constant 0 : i32
      %dma_start3A_141 = arith.constant 0 : i32
      %dma_start3A_142 = tpu.memref_slice %arg7[%run_scoped3A_117, %dma_start3A_140, %dma_start3A_141] : memref<2x128x128xf32, #tpu.memory_space<vmem>> -> memref<1x128x128xf32, #tpu.memory_space<vmem>>
      %dma_start3A_143 = tpu.memref_squeeze %dma_start3A_142 : memref<1x128x128xf32, #tpu.memory_space<vmem>> -> memref<128x128xf32, #tpu.memory_space<vmem>>
      tpu.enqueue_dma source(%dma_start3A_143 : memref<128x128xf32, #tpu.memory_space<vmem>>) target(%dma_start3A_139 : memref<128x128xf32, #tpu.memory_space<hbm>>) target_semaphore(%run_scoped3A_131 : memref<!tpu.dma_semaphore, #tpu.memory_space<semaphore_mem>>)
      %dma_wait3A = arith.constant 0 : i32
      %dma_wait3A_144 = arith.constant 0 : i32
      %dma_wait3A_145 = tpu.memref_slice %arg7[%run_scoped3A_117, %dma_wait3A, %dma_wait3A_144] : memref<2x128x128xf32, #tpu.memory_space<vmem>> -> memref<1x128x128xf32, #tpu.memory_space<vmem>>
      %dma_wait3A_146 = tpu.memref_squeeze %dma_wait3A_145 : memref<1x128x128xf32, #tpu.memory_space<vmem>> -> memref<128x128xf32, #tpu.memory_space<vmem>>
      %dma_wait3A_147 = arith.constant 0 : i32
      %dma_wait3A_148 = tpu.memref_slice %arg4[%add3A_116, %dma_wait3A_147] : memref<20480x128xf32, #tpu.memory_space<hbm>> -> memref<128x128xf32, #tpu.memory_space<hbm>>
      %dma_wait3A_149 = arith.constant 0 : i32
      %dma_wait3A_150 = tpu.memref_slice %arg4[%add3A_116, %dma_wait3A_149] : memref<20480x128xf32, #tpu.memory_space<hbm>> -> memref<128x128xf32, #tpu.memory_space<hbm>>
      %dma_wait3A_151 = arith.constant 0 : i32
      %dma_wait3A_152 = arith.constant 0 : i32
      %dma_wait3A_153 = tpu.memref_slice %arg7[%run_scoped3A_117, %dma_wait3A_151, %dma_wait3A_152] : memref<2x128x128xf32, #tpu.memory_space<vmem>> -> memref<1x128x128xf32, #tpu.memory_space<vmem>>
      %dma_wait3A_154 = tpu.memref_squeeze %dma_wait3A_153 : memref<1x128x128xf32, #tpu.memory_space<vmem>> -> memref<128x128xf32, #tpu.memory_space<vmem>>
      tpu.wait_dma2 semaphore(%run_scoped3A_131 : memref<!tpu.dma_semaphore, #tpu.memory_space<semaphore_mem>>) src(%dma_wait3A_154 : memref<128x128xf32, #tpu.memory_space<vmem>>) dst(%dma_wait3A_150 : memref<128x128xf32, #tpu.memory_space<hbm>>)
      tpu.yield
    }) : () -> ()
    %mul3A_118 = arith.constant 640 : i32
    %mul3A_119 = arith.muli %arg1, %mul3A_118 : i32
    %add3A_120 = arith.constant 512 : i32
    %add3A_121 = arith.addi %mul3A_119, %add3A_120 : i32
    %run_scoped3A_122 = arith.constant 0 : i32
    "tpu.region"() ({
      %run_scoped3A_131 = tpu.sem_alloc : memref<!tpu.dma_semaphore, #tpu.memory_space<semaphore_mem>>
      %dma_start3A_132 = arith.constant 0 : i32
      %dma_start3A_133 = arith.constant 0 : i32
      %dma_start3A_134 = tpu.memref_slice %arg7[%run_scoped3A_122, %dma_start3A_132, %dma_start3A_133] : memref<2x128x128xf32, #tpu.memory_space<vmem>> -> memref<1x128x128xf32, #tpu.memory_space<vmem>>
      %dma_start3A_135 = tpu.memref_squeeze %dma_start3A_134 : memref<1x128x128xf32, #tpu.memory_space<vmem>> -> memref<128x128xf32, #tpu.memory_space<vmem>>
      %dma_start3A_136 = arith.constant 0 : i32
      %dma_start3A_137 = tpu.memref_slice %arg8[%add3A_121, %dma_start3A_136] : memref<10240x128xf32, #tpu.memory_space<vmem_shared>> -> memref<128x128xf32, #tpu.memory_space<vmem_shared>>
      %dma_start3A_138 = arith.constant 0 : i32
      %dma_start3A_139 = arith.constant 0 : i32
      %dma_start3A_140 = tpu.memref_slice %arg7[%run_scoped3A_122, %dma_start3A_138, %dma_start3A_139] : memref<2x128x128xf32, #tpu.memory_space<vmem>> -> memref<1x128x128xf32, #tpu.memory_space<vmem>>
      %dma_start3A_141 = tpu.memref_squeeze %dma_start3A_140 : memref<1x128x128xf32, #tpu.memory_space<vmem>> -> memref<128x128xf32, #tpu.memory_space<vmem>>
      %dma_start3A_142 = arith.constant 0 : i32
      %dma_start3A_143 = tpu.memref_slice %arg8[%add3A_121, %dma_start3A_142] : memref<10240x128xf32, #tpu.memory_space<vmem_shared>> -> memref<128x128xf32, #tpu.memory_space<vmem_shared>>
      tpu.enqueue_dma source(%dma_start3A_143 : memref<128x128xf32, #tpu.memory_space<vmem_shared>>) target(%dma_start3A_141 : memref<128x128xf32, #tpu.memory_space<vmem>>) target_semaphore(%run_scoped3A_131 : memref<!tpu.dma_semaphore, #tpu.memory_space<semaphore_mem>>)
      %dma_wait3A = arith.constant 0 : i32
      %dma_wait3A_144 = arith.constant 0 : i32
      %dma_wait3A_145 = tpu.memref_slice %arg7[%run_scoped3A_122, %dma_wait3A, %dma_wait3A_144] : memref<2x128x128xf32, #tpu.memory_space<vmem>> -> memref<1x128x128xf32, #tpu.memory_space<vmem>>
      %dma_wait3A_146 = tpu.memref_squeeze %dma_wait3A_145 : memref<1x128x128xf32, #tpu.memory_space<vmem>> -> memref<128x128xf32, #tpu.memory_space<vmem>>
      %dma_wait3A_147 = arith.constant 0 : i32
      %dma_wait3A_148 = tpu.memref_slice %arg8[%add3A_121, %dma_wait3A_147] : memref<10240x128xf32, #tpu.memory_space<vmem_shared>> -> memref<128x128xf32, #tpu.memory_space<vmem_shared>>
      %dma_wait3A_149 = arith.constant 0 : i32
      %dma_wait3A_150 = arith.constant 0 : i32
      %dma_wait3A_151 = tpu.memref_slice %arg7[%run_scoped3A_122, %dma_wait3A_149, %dma_wait3A_150] : memref<2x128x128xf32, #tpu.memory_space<vmem>> -> memref<1x128x128xf32, #tpu.memory_space<vmem>>
      %dma_wait3A_152 = tpu.memref_squeeze %dma_wait3A_151 : memref<1x128x128xf32, #tpu.memory_space<vmem>> -> memref<128x128xf32, #tpu.memory_space<vmem>>
      %dma_wait3A_153 = arith.constant 0 : i32
      %dma_wait3A_154 = tpu.memref_slice %arg8[%add3A_121, %dma_wait3A_153] : memref<10240x128xf32, #tpu.memory_space<vmem_shared>> -> memref<128x128xf32, #tpu.memory_space<vmem_shared>>
      tpu.wait_dma2 semaphore(%run_scoped3A_131 : memref<!tpu.dma_semaphore, #tpu.memory_space<semaphore_mem>>) src(%dma_wait3A_154 : memref<128x128xf32, #tpu.memory_space<vmem_shared>>) dst(%dma_wait3A_152 : memref<128x128xf32, #tpu.memory_space<vmem>>)
      tpu.yield
    }) : () -> ()
    %mul3A_123 = arith.constant 10240 : i32
    %mul3A_124 = arith.muli %arg0, %mul3A_123 : i32
    %mul3A_125 = arith.constant 640 : i32
    %mul3A_126 = arith.muli %arg1, %mul3A_125 : i32
    %add3A_127 = arith.addi %mul3A_124, %mul3A_126 : i32
    %add3A_128 = arith.constant 512 : i32
    %add3A_129 = arith.addi %add3A_127, %add3A_128 : i32
    %run_scoped3A_130 = arith.constant 0 : i32
    "tpu.region"() ({
      %run_scoped3A_131 = tpu.sem_alloc : memref<!tpu.dma_semaphore, #tpu.memory_space<semaphore_mem>>
      %dma_start3A_132 = arith.constant 0 : i32
      %dma_start3A_133 = arith.constant 0 : i32
      %dma_start3A_134 = tpu.memref_slice %arg7[%run_scoped3A_130, %dma_start3A_132, %dma_start3A_133] : memref<2x128x128xf32, #tpu.memory_space<vmem>> -> memref<1x128x128xf32, #tpu.memory_space<vmem>>
      %dma_start3A_135 = tpu.memref_squeeze %dma_start3A_134 : memref<1x128x128xf32, #tpu.memory_space<vmem>> -> memref<128x128xf32, #tpu.memory_space<vmem>>
      %dma_start3A_136 = arith.constant 0 : i32
      %dma_start3A_137 = tpu.memref_slice %arg4[%add3A_129, %dma_start3A_136] : memref<20480x128xf32, #tpu.memory_space<hbm>> -> memref<128x128xf32, #tpu.memory_space<hbm>>
      %dma_start3A_138 = arith.constant 0 : i32
      %dma_start3A_139 = tpu.memref_slice %arg4[%add3A_129, %dma_start3A_138] : memref<20480x128xf32, #tpu.memory_space<hbm>> -> memref<128x128xf32, #tpu.memory_space<hbm>>
      %dma_start3A_140 = arith.constant 0 : i32
      %dma_start3A_141 = arith.constant 0 : i32
      %dma_start3A_142 = tpu.memref_slice %arg7[%run_scoped3A_130, %dma_start3A_140, %dma_start3A_141] : memref<2x128x128xf32, #tpu.memory_space<vmem>> -> memref<1x128x128xf32, #tpu.memory_space<vmem>>
      %dma_start3A_143 = tpu.memref_squeeze %dma_start3A_142 : memref<1x128x128xf32, #tpu.memory_space<vmem>> -> memref<128x128xf32, #tpu.memory_space<vmem>>
      tpu.enqueue_dma source(%dma_start3A_143 : memref<128x128xf32, #tpu.memory_space<vmem>>) target(%dma_start3A_139 : memref<128x128xf32, #tpu.memory_space<hbm>>) target_semaphore(%run_scoped3A_131 : memref<!tpu.dma_semaphore, #tpu.memory_space<semaphore_mem>>)
      %dma_wait3A = arith.constant 0 : i32
      %dma_wait3A_144 = arith.constant 0 : i32
      %dma_wait3A_145 = tpu.memref_slice %arg7[%run_scoped3A_130, %dma_wait3A, %dma_wait3A_144] : memref<2x128x128xf32, #tpu.memory_space<vmem>> -> memref<1x128x128xf32, #tpu.memory_space<vmem>>
      %dma_wait3A_146 = tpu.memref_squeeze %dma_wait3A_145 : memref<1x128x128xf32, #tpu.memory_space<vmem>> -> memref<128x128xf32, #tpu.memory_space<vmem>>
      %dma_wait3A_147 = arith.constant 0 : i32
      %dma_wait3A_148 = tpu.memref_slice %arg4[%add3A_129, %dma_wait3A_147] : memref<20480x128xf32, #tpu.memory_space<hbm>> -> memref<128x128xf32, #tpu.memory_space<hbm>>
      %dma_wait3A_149 = arith.constant 0 : i32
      %dma_wait3A_150 = tpu.memref_slice %arg4[%add3A_129, %dma_wait3A_149] : memref<20480x128xf32, #tpu.memory_space<hbm>> -> memref<128x128xf32, #tpu.memory_space<hbm>>
      %dma_wait3A_151 = arith.constant 0 : i32
      %dma_wait3A_152 = arith.constant 0 : i32
      %dma_wait3A_153 = tpu.memref_slice %arg7[%run_scoped3A_130, %dma_wait3A_151, %dma_wait3A_152] : memref<2x128x128xf32, #tpu.memory_space<vmem>> -> memref<1x128x128xf32, #tpu.memory_space<vmem>>
      %dma_wait3A_154 = tpu.memref_squeeze %dma_wait3A_153 : memref<1x128x128xf32, #tpu.memory_space<vmem>> -> memref<128x128xf32, #tpu.memory_space<vmem>>
      tpu.wait_dma2 semaphore(%run_scoped3A_131 : memref<!tpu.dma_semaphore, #tpu.memory_space<semaphore_mem>>) src(%dma_wait3A_154 : memref<128x128xf32, #tpu.memory_space<vmem>>) dst(%dma_wait3A_150 : memref<128x128xf32, #tpu.memory_space<hbm>>)
      tpu.yield
    }) : () -> ()
    return
  }
}

module attributes {stable_mosaic.version = 14 : i64} {
  func.func @_scale_body(%arg0: i32, %arg1: memref<1024x128xf32, #tpu.memory_space<vmem>>, %arg2: memref<2x16x128x128xf32, #tpu.memory_space<vmem>>, %arg3: memref<2x1024x128xf32, #tpu.memory_space<vmem>>, %arg4: memref<1024x8xf32, #tpu.memory_space<vmem>>) attributes {dimension_semantics = [#tpu.dimension_semantics<arbitrary>], iteration_bounds = array<i64: 10>, scalar_prefetch = 0 : i64, scratch_operands = 0 : i64, tpu.core_type = #tpu.core_type<tc>, window_params = [{transform_indices = @transform_0, window_bounds = array<i64: 1024, 128>}, {transform_indices = @transform_1, window_bounds = array<i64: 2, 16, 128, 128>}, {transform_indices = @transform_2, window_bounds = array<i64: 2, 1024, 128>}, {transform_indices = @transform_3, window_bounds = array<i64: 1024, 8>}]} {
    %get3A = arith.constant 0 : index
    %get3A_0 = arith.constant 0 : index
    %get3A_1 = vector.load %arg1[%get3A, %get3A_0] : memref<1024x128xf32, #tpu.memory_space<vmem>>, vector<1024x128xf32>
    %get3A_2 = arith.constant 0 : index
    %get3A_3 = arith.constant 0 : index
    %get3A_4 = arith.constant 0 : index
    %get3A_5 = arith.constant 0 : index
    %get3A_6 = vector.load %arg2[%get3A_2, %get3A_3, %get3A_4, %get3A_5] : memref<2x16x128x128xf32, #tpu.memory_space<vmem>>, vector<2x16x128x128xf32>
    %reduce_sum3A = arith.constant dense<0.000000e+00> : vector<2x128x128xf32>
    %reduce_sum3A_7 = vector.multi_reduction <add>, %get3A_6, %reduce_sum3A [1] : vector<2x16x128x128xf32> to vector<2x128x128xf32>
    %reshape3A = vector.shape_cast %reduce_sum3A_7 : vector<2x128x128xf32> to vector<2x128x8x16xf32>
    %slice3A = vector.extract_strided_slice %reshape3A {offsets = [0, 0, 0, 0], sizes = [2, 128, 8, 8], strides = [1, 1, 1, 1]} : vector<2x128x8x16xf32> to vector<2x128x8x8xf32>
    %reduce_sum3A_8 = arith.constant dense<0.000000e+00> : vector<2x128x8xf32>
    %reduce_sum3A_9 = vector.multi_reduction <add>, %slice3A, %reduce_sum3A_8 [3] : vector<2x128x8x8xf32> to vector<2x128x8xf32>
    %reshape3A_10 = vector.shape_cast %reduce_sum3A_9 : vector<2x128x8xf32> to vector<2x1024xf32>
    %slice3A_11 = vector.extract_strided_slice %reshape3A {offsets = [0, 0, 0, 8], sizes = [2, 128, 8, 8], strides = [1, 1, 1, 1]} : vector<2x128x8x16xf32> to vector<2x128x8x8xf32>
    %reduce_sum3A_12 = arith.constant dense<0.000000e+00> : vector<2x128x8xf32>
    %reduce_sum3A_13 = vector.multi_reduction <add>, %slice3A_11, %reduce_sum3A_12 [3] : vector<2x128x8x8xf32> to vector<2x128x8xf32>
    %reshape3A_14 = vector.shape_cast %reduce_sum3A_13 : vector<2x128x8xf32> to vector<2x1024xf32>
    %lt3A = arith.constant 5 : i32
    %lt3A_15 = arith.cmpi slt, %arg0, %lt3A : i32
    %select_n3A = arith.select %lt3A_15, %reshape3A_10, %reshape3A_14 : vector<2x1024xf32>
    %slice3A_16 = vector.extract_strided_slice %select_n3A {offsets = [0, 0], sizes = [1, 1024], strides = [1, 1]} : vector<2x1024xf32> to vector<1x1024xf32>
    %squeeze3A = vector.shape_cast %slice3A_16 : vector<1x1024xf32> to vector<1024xf32>
    %max3A = arith.constant 1.000000e+00 : f32
    %max3A_17 = vector.broadcast %max3A : f32 to vector<1024xf32>
    %max3A_18 = arith.maximumf %squeeze3A, %max3A_17 : vector<1024xf32>
    %slice3A_19 = vector.extract_strided_slice %select_n3A {offsets = [1, 0], sizes = [1, 1024], strides = [1, 1]} : vector<2x1024xf32> to vector<1x1024xf32>
    %squeeze3A_20 = vector.shape_cast %slice3A_19 : vector<1x1024xf32> to vector<1024xf32>
    %max3A_21 = arith.constant 1.000000e+00 : f32
    %max3A_22 = vector.broadcast %max3A_21 : f32 to vector<1024xf32>
    %max3A_23 = arith.maximumf %squeeze3A_20, %max3A_22 : vector<1024xf32>
    %swap3A = arith.constant 0 : index
    %swap3A_24 = arith.constant 0 : index
    %swap3A_25 = arith.constant 0 : index
    %swap3A_26 = vector.load %arg3[%swap3A, %swap3A_24, %swap3A_25] : memref<2x1024x128xf32, #tpu.memory_space<vmem>>, vector<1x1024x128xf32>
    %swap3A_27 = vector.shape_cast %swap3A_26 : vector<1x1024x128xf32> to vector<1024x128xf32>
    %swap3A_28 = vector.shape_cast %get3A_1 : vector<1024x128xf32> to vector<1x1024x128xf32>
    tpu.vector_store %arg3[%swap3A, %swap3A_24, %swap3A_25], %swap3A_28 {strides = array<i32>} : memref<2x1024x128xf32, #tpu.memory_space<vmem>>, vector<1x1024x128xf32>,
    %rsqrt3A = math.rsqrt %max3A_23 : vector<1024xf32>
    %broadcast_in_dim3A = vector.shape_cast %rsqrt3A : vector<1024xf32> to vector<1024x1xf32>
    %mul3A = vector.broadcast %broadcast_in_dim3A : vector<1024x1xf32> to vector<1024x128xf32>
    %mul3A_29 = arith.mulf %get3A_1, %mul3A : vector<1024x128xf32>
    %swap3A_30 = arith.constant 1 : index
    %swap3A_31 = arith.constant 0 : index
    %swap3A_32 = arith.constant 0 : index
    %swap3A_33 = vector.load %arg3[%swap3A_30, %swap3A_31, %swap3A_32] : memref<2x1024x128xf32, #tpu.memory_space<vmem>>, vector<1x1024x128xf32>
    %swap3A_34 = vector.shape_cast %swap3A_33 : vector<1x1024x128xf32> to vector<1024x128xf32>
    %swap3A_35 = vector.shape_cast %mul3A_29 : vector<1024x128xf32> to vector<1x1024x128xf32>
    tpu.vector_store %arg3[%swap3A_30, %swap3A_31, %swap3A_32], %swap3A_35 {strides = array<i32>} : memref<2x1024x128xf32, #tpu.memory_space<vmem>>, vector<1x1024x128xf32>,
    %broadcast_in_dim3A_36 = vector.shape_cast %max3A_18 : vector<1024xf32> to vector<1024x1xf32>
    %broadcast_in_dim3A_37 = vector.shape_cast %broadcast_in_dim3A_36 : vector<1024x1xf32> to vector<1024x1xf32>
    %broadcast_in_dim3A_38 = vector.broadcast %broadcast_in_dim3A_37 : vector<1024x1xf32> to vector<1024x8xf32>
    %swap3A_39 = arith.constant 0 : index
    %swap3A_40 = arith.constant 0 : index
    %swap3A_41 = vector.load %arg4[%swap3A_39, %swap3A_40] : memref<1024x8xf32, #tpu.memory_space<vmem>>, vector<1024x8xf32>
    tpu.vector_store %arg4[%swap3A_39, %swap3A_40], %broadcast_in_dim3A_38 {strides = array<i32>} : memref<1024x8xf32, #tpu.memory_space<vmem>>, vector<1024x8xf32>,
    return
  }
  func.func @transform_0(%arg0: i32) -> (i32, i32) {
    %c0_i32 = arith.constant 0 : i32
    %c0_i32_0 = arith.constant 0 : i32
    return %arg0, %c0_i32 : i32, i32
  }
  func.func @transform_1(%arg0: i32) -> (i32, i32, i32, i32) {
    %jit3A = arith.constant 5 : i32
    %eq3A = arith.constant 0 : i32
    %eq3A_0 = arith.cmpi eq, %jit3A, %eq3A : i32
    %jit3A_1 = arith.constant 1 : i32
    %select_n3A = arith.select %eq3A_0, %jit3A_1, %jit3A : i32
    %rem3A = arith.remsi %arg0, %select_n3A : i32
    %ne3A = arith.constant 0 : i32
    %ne3A_2 = arith.cmpi ne, %rem3A, %ne3A : i32
    %lt3A = arith.constant 0 : i32
    %lt3A_3 = arith.cmpi slt, %rem3A, %lt3A : i32
    %lt3A_4 = arith.constant 0 : i32
    %lt3A_5 = arith.cmpi slt, %select_n3A, %lt3A_4 : i32
    %ne3A_6 = arith.xori %lt3A_3, %lt3A_5 : i1
    %and3A = arith.andi %ne3A_6, %ne3A_2 : i1
    %add3A = arith.addi %rem3A, %select_n3A : i32
    %select_n3A_7 = arith.select %and3A, %add3A, %rem3A : i32
    %c0_i32 = arith.constant 0 : i32
    %c0_i32_8 = arith.constant 0 : i32
    %c0_i32_9 = arith.constant 0 : i32
    %c0_i32_10 = arith.constant 0 : i32
    return %c0_i32, %c0_i32_8, %select_n3A_7, %c0_i32_9 : i32, i32, i32, i32
  }
  func.func @transform_2(%arg0: i32) -> (i32, i32, i32) {
    %c0_i32 = arith.constant 0 : i32
    %c0_i32_0 = arith.constant 0 : i32
    %c0_i32_1 = arith.constant 0 : i32
    return %c0_i32, %arg0, %c0_i32_0 : i32, i32, i32
  }
  func.func @transform_3(%arg0: i32) -> (i32, i32) {
    %c0_i32 = arith.constant 0 : i32
    %c0_i32_0 = arith.constant 0 : i32
    return %arg0, %c0_i32 : i32, i32
  }
}

module attributes {stable_mosaic.version = 14 : i64} {
  func.func @_mix_body(%arg0: i32, %arg1: memref<3xf32, #tpu.memory_space<smem>>, %arg2: memref<1024x128xf32, #tpu.memory_space<vmem>>, %arg3: memref<2x1024x128xf32, #tpu.memory_space<vmem>>, %arg4: memref<1024x8xf32, #tpu.memory_space<vmem>>, %arg5: memref<128x128xf32, #tpu.memory_space<vmem>>, %arg6: memref<1x128xf32, #tpu.memory_space<vmem>>, %arg7: memref<128x128xf32, #tpu.memory_space<vmem>>, %arg8: memref<128x128xf32, #tpu.memory_space<vmem>>, %arg9: memref<1x128xf32, #tpu.memory_space<vmem>>, %arg10: memref<128x128xf32, #tpu.memory_space<vmem>>, %arg11: memref<1x128xf32, #tpu.memory_space<vmem>>, %arg12: memref<1024x128xf32, #tpu.memory_space<vmem>>) attributes {dimension_semantics = [#tpu.dimension_semantics<arbitrary>], iteration_bounds = array<i64: 10>, scalar_prefetch = 0 : i64, scratch_operands = 0 : i64, tpu.core_type = #tpu.core_type<tc>, window_params = [{transform_indices = @transform_0, window_bounds = array<i64: 3>}, {transform_indices = @transform_1, window_bounds = array<i64: 1024, 128>}, {transform_indices = @transform_2, window_bounds = array<i64: 2, 1024, 128>}, {transform_indices = @transform_3, window_bounds = array<i64: 1024, 8>}, {pipeline_mode = #tpu.pipeline_mode<synchronous>, transform_indices = @transform_4, window_bounds = array<i64: 128, 128>}, {pipeline_mode = #tpu.pipeline_mode<synchronous>, transform_indices = @transform_5, window_bounds = array<i64: 1, 128>}, {pipeline_mode = #tpu.pipeline_mode<synchronous>, transform_indices = @transform_6, window_bounds = array<i64: 128, 128>}, {pipeline_mode = #tpu.pipeline_mode<synchronous>, transform_indices = @transform_7, window_bounds = array<i64: 128, 128>}, {pipeline_mode = #tpu.pipeline_mode<synchronous>, transform_indices = @transform_8, window_bounds = array<i64: 1, 128>}, {pipeline_mode = #tpu.pipeline_mode<synchronous>, transform_indices = @transform_9, window_bounds = array<i64: 128, 128>}, {pipeline_mode = #tpu.pipeline_mode<synchronous>, transform_indices = @transform_10, window_bounds = array<i64: 1, 128>}, {transform_indices = @transform_11, window_bounds = array<i64: 1024, 128>}]} {
    %get3A = arith.constant 0 : index
    %get3A_0 = arith.constant 0 : index
    %get3A_1 = vector.load %arg2[%get3A, %get3A_0] : memref<1024x128xf32, #tpu.memory_space<vmem>>, vector<1024x128xf32>
    %get3A_2 = arith.constant 0 : index
    %get3A_3 = arith.constant 0 : index
    %get3A_4 = arith.constant 0 : index
    %get3A_5 = vector.load %arg3[%get3A_2, %get3A_3, %get3A_4] : memref<2x1024x128xf32, #tpu.memory_space<vmem>>, vector<1x1024x128xf32>
    %get3A_6 = vector.shape_cast %get3A_5 : vector<1x1024x128xf32> to vector<1024x128xf32>
    %get3A_7 = arith.constant 1 : index
    %get3A_8 = arith.constant 0 : index
    %get3A_9 = arith.constant 0 : index
    %get3A_10 = vector.load %arg3[%get3A_7, %get3A_8, %get3A_9] : memref<2x1024x128xf32, #tpu.memory_space<vmem>>, vector<1x1024x128xf32>
    %get3A_11 = vector.shape_cast %get3A_10 : vector<1x1024x128xf32> to vector<1024x128xf32>
    %get3A_12 = arith.constant 0 : index
    %get3A_13 = arith.constant 0 : index
    %get3A_14 = vector.load %arg4[%get3A_12, %get3A_13] : memref<1024x8xf32, #tpu.memory_space<vmem>>, vector<1024x1xf32>
    %get3A_15 = vector.shape_cast %get3A_14 : vector<1024x1xf32> to vector<1024xf32>
    %rsqrt3A = math.rsqrt %get3A_15 : vector<1024xf32>
    %broadcast_in_dim3A = vector.shape_cast %rsqrt3A : vector<1024xf32> to vector<1024x1xf32>
    %mul3A = vector.broadcast %broadcast_in_dim3A : vector<1024x1xf32> to vector<1024x128xf32>
    %mul3A_16 = arith.mulf %get3A_11, %mul3A : vector<1024x128xf32>
    %div3A = arith.constant 1.000000e+00 : f32
    %div3A_17 = vector.broadcast %div3A : f32 to vector<1024xf32>
    %div3A_18 = arith.divf %div3A_17, %get3A_15 : vector<1024xf32>
    %broadcast_in_dim3A_19 = vector.shape_cast %div3A_18 : vector<1024xf32> to vector<1024x1xf32>
    %mul3A_20 = vector.broadcast %broadcast_in_dim3A_19 : vector<1024x1xf32> to vector<1024x128xf32>
    %mul3A_21 = arith.mulf %get3A_6, %mul3A_20 : vector<1024x128xf32>
    %get3A_22 = arith.constant 0 : index
    %get3A_23 = arith.constant 0 : index
    %get3A_24 = vector.load %arg5[%get3A_22, %get3A_23] : memref<128x128xf32, #tpu.memory_space<vmem>>, vector<128x128xf32>
    %dot_general3A = arith.constant dense<0.000000e+00> : vector<1024x128xf32>
    %dot_general3A_25 = tpu.matmul %mul3A_16, %get3A_24, %dot_general3A {dimension_numbers = #tpu.dot_dimension_numbers<[1], [0], [0], [1], [0, 0, 1, 1], [], []>, transpose_lhs_hint = false} : vector<1024x128xf32>, vector<128x128xf32>, vector<1024x128xf32> -> vector<1024x128xf32>
    %get3A_26 = arith.constant 0 : index
    %get3A_27 = arith.constant 0 : index
    %get3A_28 = vector.load %arg6[%get3A_26, %get3A_27] : memref<1x128xf32, #tpu.memory_space<vmem>>, vector<1x128xf32>
    %add3A = vector.broadcast %get3A_28 : vector<1x128xf32> to vector<1024x128xf32>
    %add3A_29 = arith.addf %dot_general3A_25, %add3A : vector<1024x128xf32>
    %get3A_30 = arith.constant 0 : index
    %get3A_31 = arith.constant 0 : index
    %get3A_32 = vector.load %arg7[%get3A_30, %get3A_31] : memref<128x128xf32, #tpu.memory_space<vmem>>, vector<128x128xf32>
    %dot_general3A_33 = arith.constant dense<0.000000e+00> : vector<1024x128xf32>
    %dot_general3A_34 = tpu.matmul %get3A_1, %get3A_32, %dot_general3A_33 {dimension_numbers = #tpu.dot_dimension_numbers<[1], [0], [0], [1], [0, 0, 1, 1], [], []>, transpose_lhs_hint = false} : vector<1024x128xf32>, vector<128x128xf32>, vector<1024x128xf32> -> vector<1024x128xf32>
    %get3A_35 = arith.constant 0 : index
    %get3A_36 = arith.constant 0 : index
    %get3A_37 = vector.load %arg8[%get3A_35, %get3A_36] : memref<128x128xf32, #tpu.memory_space<vmem>>, vector<128x128xf32>
    %dot_general3A_38 = arith.constant dense<0.000000e+00> : vector<1024x128xf32>
    %dot_general3A_39 = tpu.matmul %mul3A_21, %get3A_37, %dot_general3A_38 {dimension_numbers = #tpu.dot_dimension_numbers<[1], [0], [0], [1], [0, 0, 1, 1], [], []>, transpose_lhs_hint = false} : vector<1024x128xf32>, vector<128x128xf32>, vector<1024x128xf32> -> vector<1024x128xf32>
    %add3A_40 = arith.addf %dot_general3A_34, %dot_general3A_39 : vector<1024x128xf32>
    %get3A_41 = arith.constant 0 : index
    %get3A_42 = arith.constant 0 : index
    %get3A_43 = vector.load %arg9[%get3A_41, %get3A_42] : memref<1x128xf32, #tpu.memory_space<vmem>>, vector<1x128xf32>
    %add3A_44 = vector.broadcast %get3A_43 : vector<1x128xf32> to vector<1024x128xf32>
    %add3A_45 = arith.addf %add3A_40, %add3A_44 : vector<1024x128xf32>
    %add3A_46 = arith.addf %get3A_1, %get3A_6 : vector<1024x128xf32>
    %get3A_47 = arith.constant 0 : index
    %get3A_48 = arith.constant 0 : index
    %get3A_49 = vector.load %arg10[%get3A_47, %get3A_48] : memref<128x128xf32, #tpu.memory_space<vmem>>, vector<128x128xf32>
    %dot_general3A_50 = arith.constant dense<0.000000e+00> : vector<1024x128xf32>
    %dot_general3A_51 = tpu.matmul %add3A_46, %get3A_49, %dot_general3A_50 {dimension_numbers = #tpu.dot_dimension_numbers<[1], [0], [0], [1], [0, 0, 1, 1], [], []>, transpose_lhs_hint = false} : vector<1024x128xf32>, vector<128x128xf32>, vector<1024x128xf32> -> vector<1024x128xf32>
    %get3A_52 = arith.constant 0 : index
    %get3A_53 = arith.constant 0 : index
    %get3A_54 = vector.load %arg11[%get3A_52, %get3A_53] : memref<1x128xf32, #tpu.memory_space<vmem>>, vector<1x128xf32>
    %add3A_55 = vector.broadcast %get3A_54 : vector<1x128xf32> to vector<1024x128xf32>
    %add3A_56 = arith.addf %dot_general3A_51, %add3A_55 : vector<1024x128xf32>
    %get3A_57 = arith.constant 0 : index
    %get3A_58 = memref.load %arg1[%get3A_57] : memref<3xf32, #tpu.memory_space<smem>>
    %gt3A = arith.constant 0.000000e+00 : f32
    %gt3A_59 = vector.broadcast %gt3A : f32 to vector<1024x128xf32>
    %gt3A_60 = arith.cmpf ogt, %add3A_29, %gt3A_59 : vector<1024x128xf32>
    %min3A = arith.constant 0.000000e+00 : f32
    %min3A_61 = vector.broadcast %min3A : f32 to vector<1024x128xf32>
    %min3A_62 = arith.minimumf %add3A_29, %min3A_61 : vector<1024x128xf32>
    %exp3A = math.exp %min3A_62 : vector<1024x128xf32>
    %sub3A = arith.constant 1.000000e+00 : f32
    %sub3A_63 = vector.broadcast %sub3A : f32 to vector<1024x128xf32>
    %sub3A_64 = arith.subf %exp3A, %sub3A_63 : vector<1024x128xf32>
    %select_n3A = arith.select %gt3A_60, %add3A_29, %sub3A_64 : vector<1024x128xi1>, vector<1024x128xf32>
    %mul3A_65 = vector.broadcast %get3A_58 : f32 to vector<1024x128xf32>
    %mul3A_66 = arith.mulf %mul3A_65, %select_n3A : vector<1024x128xf32>
    %get3A_67 = arith.constant 1 : index
    %get3A_68 = memref.load %arg1[%get3A_67] : memref<3xf32, #tpu.memory_space<smem>>
    %gt3A_69 = arith.constant 0.000000e+00 : f32
    %gt3A_70 = vector.broadcast %gt3A_69 : f32 to vector<1024x128xf32>
    %gt3A_71 = arith.cmpf ogt, %add3A_45, %gt3A_70 : vector<1024x128xf32>
    %min3A_72 = arith.constant 0.000000e+00 : f32
    %min3A_73 = vector.broadcast %min3A_72 : f32 to vector<1024x128xf32>
    %min3A_74 = arith.minimumf %add3A_45, %min3A_73 : vector<1024x128xf32>
    %exp3A_75 = math.exp %min3A_74 : vector<1024x128xf32>
    %sub3A_76 = arith.constant 1.000000e+00 : f32
    %sub3A_77 = vector.broadcast %sub3A_76 : f32 to vector<1024x128xf32>
    %sub3A_78 = arith.subf %exp3A_75, %sub3A_77 : vector<1024x128xf32>
    %select_n3A_79 = arith.select %gt3A_71, %add3A_45, %sub3A_78 : vector<1024x128xi1>, vector<1024x128xf32>
    %mul3A_80 = vector.broadcast %get3A_68 : f32 to vector<1024x128xf32>
    %mul3A_81 = arith.mulf %mul3A_80, %select_n3A_79 : vector<1024x128xf32>
    %add3A_82 = arith.addf %mul3A_66, %mul3A_81 : vector<1024x128xf32>
    %get3A_83 = arith.constant 2 : index
    %get3A_84 = memref.load %arg1[%get3A_83] : memref<3xf32, #tpu.memory_space<smem>>
    %gt3A_85 = arith.constant 0.000000e+00 : f32
    %gt3A_86 = vector.broadcast %gt3A_85 : f32 to vector<1024x128xf32>
    %gt3A_87 = arith.cmpf ogt, %add3A_56, %gt3A_86 : vector<1024x128xf32>
    %min3A_88 = arith.constant 0.000000e+00 : f32
    %min3A_89 = vector.broadcast %min3A_88 : f32 to vector<1024x128xf32>
    %min3A_90 = arith.minimumf %add3A_56, %min3A_89 : vector<1024x128xf32>
    %exp3A_91 = math.exp %min3A_90 : vector<1024x128xf32>
    %sub3A_92 = arith.constant 1.000000e+00 : f32
    %sub3A_93 = vector.broadcast %sub3A_92 : f32 to vector<1024x128xf32>
    %sub3A_94 = arith.subf %exp3A_91, %sub3A_93 : vector<1024x128xf32>
    %select_n3A_95 = arith.select %gt3A_87, %add3A_56, %sub3A_94 : vector<1024x128xi1>, vector<1024x128xf32>
    %mul3A_96 = vector.broadcast %get3A_84 : f32 to vector<1024x128xf32>
    %mul3A_97 = arith.mulf %mul3A_96, %select_n3A_95 : vector<1024x128xf32>
    %add3A_98 = arith.addf %add3A_82, %mul3A_97 : vector<1024x128xf32>
    %swap3A = arith.constant 0 : index
    %swap3A_99 = arith.constant 0 : index
    %swap3A_100 = vector.load %arg12[%swap3A, %swap3A_99] : memref<1024x128xf32, #tpu.memory_space<vmem>>, vector<1024x128xf32>
    tpu.vector_store %arg12[%swap3A, %swap3A_99], %add3A_98 {strides = array<i32>} : memref<1024x128xf32, #tpu.memory_space<vmem>>, vector<1024x128xf32>,
    return
  }
  func.func @transform_0(%arg0: i32) -> i32 {
    %c0_i32 = arith.constant 0 : i32
    %c0_i32_0 = arith.constant 0 : i32
    return %c0_i32 : i32
  }
  func.func @transform_1(%arg0: i32) -> (i32, i32) {
    %c0_i32 = arith.constant 0 : i32
    %c0_i32_0 = arith.constant 0 : i32
    return %arg0, %c0_i32 : i32, i32
  }
  func.func @transform_2(%arg0: i32) -> (i32, i32, i32) {
    %c0_i32 = arith.constant 0 : i32
    %c0_i32_0 = arith.constant 0 : i32
    %c0_i32_1 = arith.constant 0 : i32
    return %c0_i32, %arg0, %c0_i32_0 : i32, i32, i32
  }
  func.func @transform_3(%arg0: i32) -> (i32, i32) {
    %c0_i32 = arith.constant 0 : i32
    %c0_i32_0 = arith.constant 0 : i32
    return %arg0, %c0_i32 : i32, i32
  }
  func.func @transform_4(%arg0: i32) -> (i32, i32) {
    %c0_i32 = arith.constant 0 : i32
    %c0_i32_0 = arith.constant 0 : i32
    %c0_i32_1 = arith.constant 0 : i32
    return %c0_i32, %c0_i32_0 : i32, i32
  }
  func.func @transform_5(%arg0: i32) -> (i32, i32) {
    %c0_i32 = arith.constant 0 : i32
    %c0_i32_0 = arith.constant 0 : i32
    %c0_i32_1 = arith.constant 0 : i32
    return %c0_i32, %c0_i32_0 : i32, i32
  }
  func.func @transform_6(%arg0: i32) -> (i32, i32) {
    %c0_i32 = arith.constant 0 : i32
    %c0_i32_0 = arith.constant 0 : i32
    %c0_i32_1 = arith.constant 0 : i32
    return %c0_i32, %c0_i32_0 : i32, i32
  }
  func.func @transform_7(%arg0: i32) -> (i32, i32) {
    %c0_i32 = arith.constant 0 : i32
    %c0_i32_0 = arith.constant 0 : i32
    %c0_i32_1 = arith.constant 0 : i32
    return %c0_i32, %c0_i32_0 : i32, i32
  }
  func.func @transform_8(%arg0: i32) -> (i32, i32) {
    %c0_i32 = arith.constant 0 : i32
    %c0_i32_0 = arith.constant 0 : i32
    %c0_i32_1 = arith.constant 0 : i32
    return %c0_i32, %c0_i32_0 : i32, i32
  }
  func.func @transform_9(%arg0: i32) -> (i32, i32) {
    %c0_i32 = arith.constant 0 : i32
    %c0_i32_0 = arith.constant 0 : i32
    %c0_i32_1 = arith.constant 0 : i32
    return %c0_i32, %c0_i32_0 : i32, i32
  }
  func.func @transform_10(%arg0: i32) -> (i32, i32) {
    %c0_i32 = arith.constant 0 : i32
    %c0_i32_0 = arith.constant 0 : i32
    %c0_i32_1 = arith.constant 0 : i32
    return %c0_i32, %c0_i32_0 : i32, i32
  }
  func.func @transform_11(%arg0: i32) -> (i32, i32) {
    %c0_i32 = arith.constant 0 : i32
    %c0_i32_0 = arith.constant 0 : i32
    return %arg0, %c0_i32 : i32, i32
  }
}

</mosaic_0001>

<sc_bundles>
// kernel: kernel.6.cloned.1.call-start
scs
__scs_entry_jumppad:
0x0: {  	(pc) =	sbr.rel $0x88, $3  }
0x1: {  	(tag) =	ssettag $0x0;
	lr =	simm.s32 $0x1  }
0x2: {  	[smem:$0x3F97] =	sst lr;
	_ =	strace $0xD0000000  }
0x3: {  	_ = 	snop  }
0x4: {  	_ = 	snop  }
0x5: {  	_ = 	snop  }
0x6: {  	_ = 	snop  }
0x7: {  	_ = 	snop  }
__scs_overlays_trampoline_lowered:
0x8: {  	[smem:$0x3FA6] =	sst s0  }
0x9: {  	[smem:$0x3FA7] =	sst s1  }
0xa: {  	[smem:$0x3FA8] =	sst s2  }
0xb: {  	[smem:$0x3FA9] =	sst s3  }
0xc: {  	[smem:$0x3FAA] =	sst s4  }
0xd: {  	[smem:$0x3FAB] =	sst s5  }
0xe: {  	[smem:$0x3FAC] =	sst s6  }
0xf: {  	[smem:$0x3FAD] =	sst s7  }
0x10: {  	[smem:$0x3FAE] =	sst s8  }
0x11: {  	[smem:$0x3FAF] =	sst s9;
	s0 =	simm.s32 @!p0 $0x0  }
0x12: {  	s1 =	sld [smem:$0x3F95];
	s0 =	simm.s32 @p0 $0x1  }
0x13: {  	[smem:$0x3FB0] =	sst s0;
	s0 =	simm.s32 @!p1 $0x0  }
0x14: {  	s2 =	sld [smem:$0x3F94];
	s0 =	simm.s32 @p1 $0x1  }
0x15: {  	[smem:$0x3FB1] =	sst s0;
	s0 =	simm.s32 @!p2 $0x0  }
0x16: {  	s3 =	sld [smem:$0x3FDB];
	s0 =	simm.s32 @p2 $0x1  }
0x17: {  	s4 =	simm.s32 $0x1BF5;
	[smem:$0x3FB3] =	sst s0  }
0x18: {  	s0 =	sld [smem:$0x3F96];
	_ =	swait.ge [sflag:s4], $0x0  }
0x19: {  	s7 =	sld [smem:$0x3F97]  }
0x1a: {  	s8 =	sadd.s32 $0xFFFFE003, lr  }
0x1b: {  	s9 =	sadd.s32 $0xFFFFFEF7, lr;
	s5 =	simm.s32 $0xFFFFFFFF;
	p2 =	slt.u32 s8, $0xFFFFF086  }
0x1c: {  	p1 =	slt.u32 s9, $0xF7A;
	s5 =	simm.s32 @!p2 $0x0  }
0x1d: {  	s5 =	simm.s32 @p1 $0x1;
	p0 =	seq.s32 s7, s2  }
0x1e: {  	s7 =	smul.u32 @!p0 $0xF7A, s2;
	p2 =	seq.s32 @!p0 s5, $0x0  }
0x1f: {  	s9 =	smul.u32 $0xF7A, s1;
	s8 =	simm.s32 @!p0 $0x1BF5;
	p2 =	por !p2, p0  }
0x20: {  	[sflag:s8] =	ssyncset.s32 @!p0 $0xFFFFF086;
	s6 =	sadd.s32 @!p0 s3, s7;
	s7 =	simm.s32 @!p0 $0x108  }
0x21: {  	s3 =	sadd.s32 s3, s9;
	s6 =	sadd.s32 @!p0 $0x88, s6;
	s7 =	simm.s32 @p2 $0x1082  }
0x22: {  	[simem:s7], [sflag:s8] =	dma.local @!p0 [hbm:s6], $0xF7A  }
0x23: {  	s9 =	sor.u32 $0xD0000000, s2;
	s6 =	simm.s32 $0x108;
	_ =	swait.ge @!p0 [sflag:s8], $0x0  }
0x24: {  	s3 =	sadd.s32 $0x88, s3;
	s6 =	simm.s32 @!p1 $0x1082;
	[sflag:s4] =	ssyncset.s32 $0xFFFFF086  }
0x25: {  	[simem:s6], [sflag:s4] =	dma.local [hbm:s3], $0xF7A  }
0x26: {  	[smem:$0x3F97] =	sst s1;
	(tag) =	ssettag s2;
	_ =	strace s9  }
0x27: {  	s1 =	sld [smem:$0x3FA7]  }
0x28: {  	s2 =	sld [smem:$0x3FA8]  }
0x29: {  	s4 =	sld [smem:$0x3FAA]  }
0x2a: {  	p0 =	seq.s32 s5, $0x0;
	s5 =	sld [smem:$0x3FAB]  }
0x2b: {  	s6 =	sld [smem:$0x3FAC]  }
0x2c: {  	s7 =	sld [smem:$0x3FAD]  }
0x2d: {  	s3 =	simm.s32 $0x108;
	s8 =	sld [smem:$0x3FAE]  }
0x2e: {  	s3 =	simm.s32 @!p0 $0x1082;
	s9 =	sld [smem:$0x3FAF]  }
0x2f: {  	lr =	sadd.s32 s0, s3;
	s0 =	sld [smem:$0x3FA6]  }
0x30: {  	s3 =	sld [smem:$0x3FA9]  }
0x31: {  	[smem:$0x3FB2] =	sst s10  }
0x32: {  	s10 =	sld [smem:$0x3FB0];
	_ =	sdelay $0x3  }
0x33: {  	p0 =	seq.s32 s10, $0x1;
	s10 =	sld [smem:$0x3FB2];
	_ =	sdelay $0x3  }
0x34: {  	[smem:$0x3FB2] =	sst s10  }
0x35: {  	s10 =	sld [smem:$0x3FB1];
	_ =	sdelay $0x3  }
0x36: {  	p1 =	seq.s32 s10, $0x1;
	s10 =	sld [smem:$0x3FB2];
	_ =	sdelay $0x3  }
0x37: {  	[smem:$0x3FB2] =	sst s10  }
0x38: {  	s10 =	sld [smem:$0x3FB3]  }
0x39: {  	_ = 	snop;
	(pc) =	sbr.ind lr, $3  }
0x3a: {  	_ = 	snop  }
0x3b: {  	_ = 	snop  }
0x3c: {  	p2 =	seq.s32 s10, $0x1;
	s10 =	sld [smem:$0x3FB2]  }
0x3d: {  	_ =	shalt  }
0x3e: {  	_ =	shalt  }
0x3f: {  	_ =	shalt  }
0x40: {  	_ =	shalt  }
0x41: {  	_ =	shalt  }
0x42: {  	_ =	shalt  }
0x43: {  	_ =	shalt  }
0x44: {  	_ =	shalt  }
0x45: {  	_ =	shalt  }
0x46: {  	_ =	shalt  }
0x47: {  	_ =	shalt  }
0x48: {  	_ =	shalt  }
0x49: {  	_ =	shalt  }
0x4a: {  	_ =	shalt  }
0x4b: {  	_ =	shalt  }
0x4c: {  	_ =	shalt  }
0x4d: {  	_ =	shalt  }
0x4e: {  	_ =	shalt  }
0x4f: {  	_ =	shalt  }
0x50: {  	_ =	shalt  }
0x51: {  	_ =	shalt  }
0x52: {  	_ =	shalt  }
0x53: {  	_ =	shalt  }
0x54: {  	_ =	shalt  }
0x55: {  	_ =	shalt  }
0x56: {  	_ =	shalt  }
0x57: {  	_ =	shalt  }
0x58: {  	_ =	shalt  }
0x59: {  	_ =	shalt  }
0x5a: {  	_ =	shalt  }
0x5b: {  	_ =	shalt  }
0x5c: {  	_ =	shalt  }
0x5d: {  	_ =	shalt  }
0x5e: {  	_ =	shalt  }
0x5f: {  	_ =	shalt  }
0x60: {  	_ =	shalt  }
0x61: {  	_ =	shalt  }
0x62: {  	_ =	shalt  }
0x63: {  	_ =	shalt  }
0x64: {  	_ =	shalt  }
0x65: {  	_ =	shalt  }
0x66: {  	_ =	shalt  }
0x67: {  	_ =	shalt  }
0x68: {  	_ =	shalt  }
0x69: {  	_ =	shalt  }
0x6a: {  	_ =	shalt  }
0x6b: {  	_ =	shalt  }
0x6c: {  	_ =	shalt  }
0x6d: {  	_ =	shalt  }
0x6e: {  	_ =	shalt  }
0x6f: {  	_ =	shalt  }
0x70: {  	_ =	shalt  }
0x71: {  	_ =	shalt  }
0x72: {  	_ =	shalt  }
0x73: {  	_ =	shalt  }
0x74: {  	_ =	shalt  }
0x75: {  	_ =	shalt  }
0x76: {  	_ =	shalt  }
0x77: {  	_ =	shalt  }
0x78: {  	_ =	shalt  }
0x79: {  	_ =	shalt  }
0x7a: {  	_ =	shalt  }
0x7b: {  	_ =	shalt  }
0x7c: {  	_ =	shalt  }
0x7d: {  	_ =	shalt  }
0x7e: {  	_ =	shalt  }
0x7f: {  	_ =	shalt  }
0x80: {  	_ =	shalt  }
0x81: {  	_ =	shalt  }
0x82: {  	_ =	shalt  }
0x83: {  	_ =	shalt  }
0x84: {  	_ =	shalt  }
0x85: {  	_ =	shalt  }
0x86: {  	_ =	shalt  }
0x87: {  	_ =	shalt  }
.Lfunc_end0:
.L_simem_size_0:
called_computation_lowered:
.L_overlay_start_0:
0x88: {  	s2 =	sld [smem:$0x3FD9]  }
0x89: {  	s3 =	sld [smem:$0x3FFE];
	_ =	sdelay $0x1  }
0x8a: {  	s1 =	srdreg.scid  }
0x8b: {  	s0 =	sand.u32 $0x1, s1  }
0x8c: {  	s17 =	sshll.u32 s0, $0xA;
	s2 =	sadd.s32 s3, s2  }
0x8d: {  	s2 =	sadd.s32 s2, s17  }
0x8e: {  	[smem:$0x3FBE] =	sst s2  }
0x8f: {  	_ = 	snop  }
0x90: {  	s2 =	sld [smem:$0x3FD0];
	(tm) =	ssettm $0x1  }
0x91: {  	s18 =	sld [smem:$0x3FFB];
	_ =	sdelay $0x3  }
0x92: {  	_ =	strace s18  }
0x93: {  	s3 =	sld [smem:$0x3FFC];
	_ =	sdelay $0x3  }
0x94: {  	_ =	strace s3  }
0x95: {  	s3 =	sld [smem:$0x3FFD];
	_ =	sdelay $0x3  }
0x96: {  	_ =	strace s3  }
0x97: {  	_ =	strace $0x8FFFFFFF  }
0x98: {  	s19 =	sld [smem:$0x3FDB];
	_ =	sdelay $0x1  }
0x99: {  	s4 =	simm.s32 $_scs_section_size  }
0x9a: {  	s5 =	simm.s32 $_size__tile_overlayer_lowered;
	s6 =	simm.s32 $_tile_overlayer_lowered  }
0x9b: {  	s22 =	simm.s32 $0x1BFF;
	s21 =	sshll.u32 s6, $0x1;
	s3 =	sadd.s32 s4, s19  }
0x9c: {  	s7 =	simm.s32 $0x0;
	s20 =	sshll.u32 s5, $0x1;
	s5 =	sadd.s32 s21, s3  }
0x9d: {  	[timem:s7], [sflag:s22] =	dma.local [hbm:s5], s20  }
0x9e: {  	_ =	swait.ge [sflag:s22], s20  }
0x9f: {  	s4 =	ssub.s32 $0x0, s20;
	[sflag:s22] =	ssyncset.done $0x0  }
0xa0: {  	[sflag:s22] =	ssyncadd.s32 s4;
	_ =	sdelay $0x1  }
0xa1: {  	s23 =	simm.s32 $0x1B8B  }
0xa2: {  	_ =	swait.ge [sflag:s23], $0x1  }
0xa3: {  	[sflag:s23] =	ssyncset.done $0x0  }
0xa4: {  	s25 =	simm.s32 $0x1B8E;
	s24 =	sld [smem:$0x3FFE];
	[sflag:s23] =	ssyncadd.s32 $0xFFFFFFFF  }
0xa5: {  	s26 =	simm.s32 $execute0_lowered;
	[smem:$0x3FD2] =	sst s25  }
0xa6: {  	s5 =	sshll.u32 s26, $0x1;
	_ =	strace $0x80000046;
	[dreg:$0x1] =	wrdreg $0xFFFFFFFF  }
0xa7: {  	s28 =	simm.s32 $_size_execute0_lowered;
	s3 =	sadd.s32 s3, s5;
	[dreg:$0x0] =	wrdreg $0x0  }
0xa8: {  	s5 =	sshll.u32 s28, $0x1;
	[dreg:$0x2] =	wrdreg s3  }
0xa9: {  	[dreg:$0x3] =	wrdreg s5  }
0xaa: {  	[dreg:$0x4] =	wrdreg $0xC0  }
0xab: {  	_ =	task [dreg:s7], $0x5FFFF  }
0xac: {  	[dreg:$0x1] =	wrdreg $0xFFFFFFFF  }
0xad: {  	[dreg:$0x0] =	wrdreg $0x60  }
0xae: {  	[dreg:$0x2] =	wrdreg s2  }
0xaf: {  	[dreg:$0x3] =	wrdreg s24  }
0xb0: {  	[dreg:$0x4] =	wrdreg $0x9  }
0xb1: {  	_ =	task.clear_ibuf [dreg:s7], $0x5FFFF;
	_ =	strace $0x90000046  }
0xb2: {  	s29 =	simm.s32 $0x9;
	_ =	strace $0x80000048  }
0xb3: {  	_ =	swait.ge [sflag:s29], $0x1  }
0xb4: {  	[sflag:s29] =	ssyncadd.s32 $0xFFFFFFFF  }
0xb5: {  	_ =	strace $0x90000048  }
0xb6: {  	_ =	sfence  }
0xb7: {  	s30 =	sld [smem:$0x0];
	_ =	sdelay $0x2  }
0xb8: {  	s31 =	sshll.u32 s1, $0xD;
	s1 =	sshrl.u32 s1, $0x2  }
0xb9: {  	s3 =	sand.u32 $0x4000, s31;
	s1 =	sadd.s32 s1, s30  }
0xba: {  	s0 =	sor.u32 s3, s0;
	s1 =	sshll.u32 s1, $0x11  }
0xbb: {  	s0 =	sor.u32 s1, s0  }
0xbc: {  	s0 =	sadd.s32 $0x8F2B, s0  }
0xbd: {  	[sflag:s0] =	ssyncadd.remote.s32 $0x1  }
0xbe: {  	_ =	sfence.sel $0xFFFF  }
0xbf: {  	[dreg:$0x0] =	wrdreg $0xFFFFFFFF;
	(pc) =	sbr.abs _section_cstart, $3  }
0xc0: {  	[dreg:$0x1] =	wrdreg $0xFFFFFFFF  }
0xc1: {  	_ =	task.clear_ibuf [dreg:s7], $0x2FFFF;
	_ =	strace $0x9FFFFFFF  }
0xc2: {  	(tm) =	ssettm $0x7FFFFFFF  }
0xc3: {  	_ =	shalt  }
tec
execute0_lowered:
.L_overlay_start_1:
0x0: {  	(tag) =	ssettag $0x1  }
0x1: {  	s5 =	rddreg [dreg:$0x0]  }
0x2: {  	s0 =	srdreg.scid;
	s3 =	rddreg [dreg:$0x1]  }
0x3: {  	s1 =	stileid.u32;
	s4 =	sand.u32 $0x1, s0;
	s0 =	rddreg [dreg:$0x2]  }
0x4: {  	s8 =	smul.u32 $0x5000, s1;
	s2 =	sxor.u32 $0x1, s4;
	s6 =	sshll.u32 s4, $0x4  }
0x5: {  	s4 =	ssub.s32 $0x2, s4;
	s7 =	smul.u32 $0x50000, s2;
	s2 =	simm.s32 $0x0  }
0x6: {  	s6 =	sor.u32 s1, s6;
	s30 =	sshrl.u32 s4, $0x1;
	[smem:$0x7FF] =	sst s2  }
0x7: {  	s6 =	smul.u32 $0x2800, s6;
	s4 =	ssub.s32 s4, s30;
	_ =	strace $0x80000047  }
0x8: {  	s7 =	sadd.s32 s8, s7;
	s4 =	smax.u32 s4, $0x1;
	s8 =	simm.s32 $0x0  }
0x9: {  	v0 =	vimm.f32 $0.0e+00;
	v1 =	vlaneseq.u32;
	s3 =	sadd.s32 s6, s3;
	s31 =	sshrl.u32 s7, $0x3;
	s6 =	simm.s32 $0x1  }
0xa: {  	v2 =	vimm.f32 $1.000000000e+00;
	vm0 =	vcmask $0x3F20;
	v1 =	vand.u32 $0x7, v1;
	s7 =	simm.s32 $0x80;
	s3 =	sadd.s32 $0x2600, s3;
	s5 =	sadd.s32 s31, s5  }
.LBB2_1:
0xb: {  	s9 =	simm.s32 $0x0  }
.LBB2_2:
0xc: {  	p0 =	sne.s32 s9, $0x4FFC0  }
.Ltmp0:
0xd: {  	_ = 	snop;
	(pc) =	sbr.rel @p0 .LBB2_2-.Ltmp0, $3  }
0xe: {  	_ =	sdelay $0x1  }
0xf: {  	s10 =	sshra.s32 s9, $0x2  }
0x10: {  	s9 =	sadd.s32 $0x40, s9;
	[tilespmem:s10+$0x80] =	vst v0  }
0x11: {  	s9 =	simm.s32 $0x0  }
.LBB2_4:
0x12: {  	s10 =	sadd.s32 s9, s5  }
0x13: {  	[tilespmem:s2], [sflag:$0x1] =	stream.linear.gather [hbm4b:s10+s2], $0x80, $0x38;
	[tilespmem:$0x14080] =	vst v63  }
0x14: {  	_ =	swait.ge [sflag:s6], $0x80  }
0x15: {  	[sflag:s6] =	ssyncset.done $0x0  }
0x16: {  	[sflag:s6] =	ssyncadd.s32 $0xFFFFFF80  }
0x17: {  	v3 =	vld [tilespmem:$0x0];
	_ =	sdelay $0x4  }
0x18: {  	v4 =	vshll.u32 v3, $0x4  }
0x19: {  	vm1 =	vgt.s32 v3, $0x13FF;
	v3 =	vadd.s32 $0xFFFEC008, v4  }
0x1a: {  	v3 =	vsel vm1, v3, v4  }
0x1b: {  	v3 =	vor.u32 v1, v3;
	_ =	sdelay $0x4  }
0x1c: {  	[tilespmem:v3+s7+$0x0] =	vst.idx.add.f32.msk $0xff, v2  }
0x1d: {  	[tilespmem:v3+s7+$0x0] =	vst.idx.add.f32.msk vm0, v2  }
0x1e: {  	v3 =	vld [tilespmem:$0x10];
	_ =	sdelay $0x4  }
0x1f: {  	v57 =	vshll.u32 v3, $0x4  }
0x20: {  	vm1 =	vgt.s32 v3, $0x13FF;
	v3 =	vadd.s32 $0xFFFEC008, v57  }
0x21: {  	v3 =	vsel vm1, v3, v57  }
0x22: {  	v3 =	vor.u32 v1, v3;
	_ =	sdelay $0x4  }
0x23: {  	[tilespmem:v3+s7+$0x0] =	vst.idx.add.f32.msk $0xff, v2  }
0x24: {  	[tilespmem:v3+s7+$0x0] =	vst.idx.add.f32.msk vm0, v2  }
0x25: {  	v3 =	vld [tilespmem:$0x20];
	_ =	sdelay $0x4  }
0x26: {  	v58 =	vshll.u32 v3, $0x4  }
0x27: {  	vm1 =	vgt.s32 v3, $0x13FF;
	v3 =	vadd.s32 $0xFFFEC008, v58  }
0x28: {  	v3 =	vsel vm1, v3, v58  }
0x29: {  	v3 =	vor.u32 v1, v3;
	_ =	sdelay $0x4  }
0x2a: {  	[tilespmem:v3+s7+$0x0] =	vst.idx.add.f32.msk $0xff, v2  }
0x2b: {  	[tilespmem:v3+s7+$0x0] =	vst.idx.add.f32.msk vm0, v2  }
0x2c: {  	v3 =	vld [tilespmem:$0x30];
	_ =	sdelay $0x4  }
0x2d: {  	v59 =	vshll.u32 v3, $0x4  }
0x2e: {  	vm1 =	vgt.s32 v3, $0x13FF;
	v3 =	vadd.s32 $0xFFFEC008, v59  }
0x2f: {  	v3 =	vsel vm1, v3, v59  }
0x30: {  	v3 =	vor.u32 v1, v3;
	_ =	sdelay $0x4  }
0x31: {  	[tilespmem:v3+s7+$0x0] =	vst.idx.add.f32.msk $0xff, v2  }
0x32: {  	[tilespmem:v3+s7+$0x0] =	vst.idx.add.f32.msk vm0, v2  }
0x33: {  	v3 =	vld [tilespmem:$0x40];
	_ =	sdelay $0x4  }
0x34: {  	v60 =	vshll.u32 v3, $0x4  }
0x35: {  	vm1 =	vgt.s32 v3, $0x13FF;
	v3 =	vadd.s32 $0xFFFEC008, v60  }
0x36: {  	v3 =	vsel vm1, v3, v60  }
0x37: {  	v3 =	vor.u32 v1, v3;
	_ =	sdelay $0x4  }
0x38: {  	[tilespmem:v3+s7+$0x0] =	vst.idx.add.f32.msk $0xff, v2  }
0x39: {  	[tilespmem:v3+s7+$0x0] =	vst.idx.add.f32.msk vm0, v2  }
0x3a: {  	v3 =	vld [tilespmem:$0x50];
	_ =	sdelay $0x4  }
0x3b: {  	v61 =	vshll.u32 v3, $0x4  }
0x3c: {  	vm1 =	vgt.s32 v3, $0x13FF;
	v3 =	vadd.s32 $0xFFFEC008, v61  }
0x3d: {  	v3 =	vsel vm1, v3, v61  }
0x3e: {  	v3 =	vor.u32 v1, v3;
	_ =	sdelay $0x4  }
0x3f: {  	[tilespmem:v3+s7+$0x0] =	vst.idx.add.f32.msk $0xff, v2  }
0x40: {  	[tilespmem:v3+s7+$0x0] =	vst.idx.add.f32.msk vm0, v2  }
0x41: {  	v3 =	vld [tilespmem:$0x60];
	_ =	sdelay $0x4  }
0x42: {  	v62 =	vshll.u32 v3, $0x4  }
0x43: {  	vm1 =	vgt.s32 v3, $0x13FF;
	v3 =	vadd.s32 $0xFFFEC008, v62  }
0x44: {  	v3 =	vsel vm1, v3, v62  }
0x45: {  	v3 =	vor.u32 v1, v3;
	_ =	sdelay $0x4  }
0x46: {  	[tilespmem:v3+s7+$0x0] =	vst.idx.add.f32.msk $0xff, v2  }
0x47: {  	[tilespmem:v3+s7+$0x0] =	vst.idx.add.f32.msk vm0, v2  }
0x48: {  	v3 =	vld [tilespmem:$0x70];
	_ =	sdelay $0x4  }
0x49: {  	v63 =	vshll.u32 v3, $0x4  }
0x4a: {  	vm1 =	vgt.s32 v3, $0x13FF;
	v3 =	vadd.s32 $0xFFFEC008, v63  }
0x4b: {  	v3 =	vsel vm1, v3, v63  }
0x4c: {  	v3 =	vor.u32 v1, v3  }
0x4d: {  	p0 =	sne.s32 s9, $0x9F0  }
.Ltmp1:
0x4e: {  	_ = 	snop;
	(pc) =	sbr.rel @p0 .LBB2_4-.Ltmp1, $3  }
0x4f: {  	_ =	sdelay $0x1  }
0x50: {  	[tilespmem:v3+s7+$0x0] =	vst.idx.add.f32.msk $0xff, v2  }
0x51: {  	s9 =	sadd.s32 $0x10, s9;
	[tilespmem:v3+s7+$0x0] =	vst.idx.add.f32.msk vm0, v2  }
0x52: {  	s8 =	sadd.s32 $0x1, s8  }
0x53: {  	p0 =	sne.s32 s8, s4  }
.Ltmp2:
0x54: {  	_ = 	snop;
	(pc) =	sbr.rel @p0 .LBB2_1-.Ltmp2, $4  }
0x55: {  	[hbm4b:s3+s2] =	stream.linear.scatter [tilespmem:s7], [sflag:$0x1], $0x14000, $0x38;
	[tilespmem:$0x14080] =	vst v63  }
0x56: {  	_ =	swait.ge [sflag:s6], $0x14000  }
0x57: {  	[sflag:s6] =	ssyncset.done $0x0  }
0x58: {  	[sflag:s6] =	ssyncadd.s32 $0xFFFEC000  }
0x59: {  	_ =	sfence.sel $0x180000  }
0x5a: {  	[bflag:$0x0] =	sbarrier.arrive $0xFFFF  }
0x5b: {  	p0 =	sne.s32 s1, $0x0;
	_ =	strace $0x90000047  }
0x5c: {  	s0 =	sadd.s32 @!p0 $0x100000, s0;
	[bflag:$0x2] =	sbarrier.arrive $0xFFFF  }
0x5d: {  	[sflag:s0] =	ssyncadd.tile.s32 @!p0 $0x1;
	_ =	shalt  }
.Lfunc_end2:
_tile_overlayer_lowered:
.L_overlay_start_2:
0x5e: {  	(tag) =	ssettag $0x2  }
0x5f: {  	s0 =	rddreg [dreg:$0x0];
	s2 =	stileid.u32  }
0x60: {  	s1 =	rddreg [dreg:$0x1];
	p0 =	sne.s32 s2, $0x0  }
0x61: {  	s3 =	rddreg [dreg:$0x2];
	[bflag:$0x3] =	sbarrier.arrive $0xFFFF;
	s2 =	simm.s32 @!p0 $0x1C01  }
0x62: {  	[timem:s3], [sflag:s2] =	dma.local @!p0 [hbm:s0], s1  }
0x63: {  	s0 =	simm.s32 @!p0 $0x1  }
0x64: {  	_ =	swait.ge @!p0 [sflag:s0], s1  }
0x65: {  	s1 =	ssub.s32 @!p0 $0x0, s1;
	[sflag:s0] =	ssyncset.done @!p0 $0x0  }
0x66: {  	[sflag:s0] =	ssyncadd.s32 @!p0 s1  }
0x67: {  	[bflag:$0x3] =	sbarrier.arrive $0xFFFF  }
0x68: {  	_ =	shalt  }

// kernel: kernel.9.cloned.1.call-start
scs
__scs_entry_jumppad:
0x0: {  	(pc) =	sbr.rel $0x88, $3  }
0x1: {  	(tag) =	ssettag $0x0;
	lr =	simm.s32 $0x1  }
0x2: {  	[smem:$0x3F97] =	sst lr;
	_ =	strace $0xD0000000  }
0x3: {  	_ = 	snop  }
0x4: {  	_ = 	snop  }
0x5: {  	_ = 	snop  }
0x6: {  	_ = 	snop  }
0x7: {  	_ = 	snop  }
__scs_overlays_trampoline_lowered:
0x8: {  	[smem:$0x3FA6] =	sst s0  }
0x9: {  	[smem:$0x3FA7] =	sst s1  }
0xa: {  	[smem:$0x3FA8] =	sst s2  }
0xb: {  	[smem:$0x3FA9] =	sst s3  }
0xc: {  	[smem:$0x3FAA] =	sst s4  }
0xd: {  	[smem:$0x3FAB] =	sst s5  }
0xe: {  	[smem:$0x3FAC] =	sst s6  }
0xf: {  	[smem:$0x3FAD] =	sst s7  }
0x10: {  	[smem:$0x3FAE] =	sst s8  }
0x11: {  	[smem:$0x3FAF] =	sst s9;
	s0 =	simm.s32 @!p0 $0x0  }
0x12: {  	s1 =	sld [smem:$0x3F95];
	s0 =	simm.s32 @p0 $0x1  }
0x13: {  	[smem:$0x3FB0] =	sst s0;
	s0 =	simm.s32 @!p1 $0x0  }
0x14: {  	s2 =	sld [smem:$0x3F94];
	s0 =	simm.s32 @p1 $0x1  }
0x15: {  	[smem:$0x3FB1] =	sst s0;
	s0 =	simm.s32 @!p2 $0x0  }
0x16: {  	s3 =	sld [smem:$0x3FDB];
	s0 =	simm.s32 @p2 $0x1  }
0x17: {  	s4 =	simm.s32 $0x1BF5;
	[smem:$0x3FB3] =	sst s0  }
0x18: {  	s0 =	sld [smem:$0x3F96];
	_ =	swait.ge [sflag:s4], $0x0  }
0x19: {  	s7 =	sld [smem:$0x3F97]  }
0x1a: {  	s8 =	sadd.s32 $0xFFFFE003, lr  }
0x1b: {  	s9 =	sadd.s32 $0xFFFFFEF7, lr;
	s5 =	simm.s32 $0xFFFFFFFF;
	p2 =	slt.u32 s8, $0xFFFFF086  }
0x1c: {  	p1 =	slt.u32 s9, $0xF7A;
	s5 =	simm.s32 @!p2 $0x0  }
0x1d: {  	s5 =	simm.s32 @p1 $0x1;
	p0 =	seq.s32 s7, s2  }
0x1e: {  	s7 =	smul.u32 @!p0 $0xF7A, s2;
	p2 =	seq.s32 @!p0 s5, $0x0  }
0x1f: {  	s9 =	smul.u32 $0xF7A, s1;
	s8 =	simm.s32 @!p0 $0x1BF5;
	p2 =	por !p2, p0  }
0x20: {  	[sflag:s8] =	ssyncset.s32 @!p0 $0xFFFFF086;
	s6 =	sadd.s32 @!p0 s3, s7;
	s7 =	simm.s32 @!p0 $0x108  }
0x21: {  	s3 =	sadd.s32 s3, s9;
	s6 =	sadd.s32 @!p0 $0x88, s6;
	s7 =	simm.s32 @p2 $0x1082  }
0x22: {  	[simem:s7], [sflag:s8] =	dma.local @!p0 [hbm:s6], $0xF7A  }
0x23: {  	s9 =	sor.u32 $0xD0000000, s2;
	s6 =	simm.s32 $0x108;
	_ =	swait.ge @!p0 [sflag:s8], $0x0  }
0x24: {  	s3 =	sadd.s32 $0x88, s3;
	s6 =	simm.s32 @!p1 $0x1082;
	[sflag:s4] =	ssyncset.s32 $0xFFFFF086  }
0x25: {  	[simem:s6], [sflag:s4] =	dma.local [hbm:s3], $0xF7A  }
0x26: {  	[smem:$0x3F97] =	sst s1;
	(tag) =	ssettag s2;
	_ =	strace s9  }
0x27: {  	s1 =	sld [smem:$0x3FA7]  }
0x28: {  	s2 =	sld [smem:$0x3FA8]  }
0x29: {  	s4 =	sld [smem:$0x3FAA]  }
0x2a: {  	p0 =	seq.s32 s5, $0x0;
	s5 =	sld [smem:$0x3FAB]  }
0x2b: {  	s6 =	sld [smem:$0x3FAC]  }
0x2c: {  	s7 =	sld [smem:$0x3FAD]  }
0x2d: {  	s3 =	simm.s32 $0x108;
	s8 =	sld [smem:$0x3FAE]  }
0x2e: {  	s3 =	simm.s32 @!p0 $0x1082;
	s9 =	sld [smem:$0x3FAF]  }
0x2f: {  	lr =	sadd.s32 s0, s3;
	s0 =	sld [smem:$0x3FA6]  }
0x30: {  	s3 =	sld [smem:$0x3FA9]  }
0x31: {  	[smem:$0x3FB2] =	sst s10  }
0x32: {  	s10 =	sld [smem:$0x3FB0];
	_ =	sdelay $0x3  }
0x33: {  	p0 =	seq.s32 s10, $0x1;
	s10 =	sld [smem:$0x3FB2];
	_ =	sdelay $0x3  }
0x34: {  	[smem:$0x3FB2] =	sst s10  }
0x35: {  	s10 =	sld [smem:$0x3FB1];
	_ =	sdelay $0x3  }
0x36: {  	p1 =	seq.s32 s10, $0x1;
	s10 =	sld [smem:$0x3FB2];
	_ =	sdelay $0x3  }
0x37: {  	[smem:$0x3FB2] =	sst s10  }
0x38: {  	s10 =	sld [smem:$0x3FB3]  }
0x39: {  	_ = 	snop;
	(pc) =	sbr.ind lr, $3  }
0x3a: {  	_ = 	snop  }
0x3b: {  	_ = 	snop  }
0x3c: {  	p2 =	seq.s32 s10, $0x1;
	s10 =	sld [smem:$0x3FB2]  }
0x3d: {  	_ =	shalt  }
0x3e: {  	_ =	shalt  }
0x3f: {  	_ =	shalt  }
0x40: {  	_ =	shalt  }
0x41: {  	_ =	shalt  }
0x42: {  	_ =	shalt  }
0x43: {  	_ =	shalt  }
0x44: {  	_ =	shalt  }
0x45: {  	_ =	shalt  }
0x46: {  	_ =	shalt  }
0x47: {  	_ =	shalt  }
0x48: {  	_ =	shalt  }
0x49: {  	_ =	shalt  }
0x4a: {  	_ =	shalt  }
0x4b: {  	_ =	shalt  }
0x4c: {  	_ =	shalt  }
0x4d: {  	_ =	shalt  }
0x4e: {  	_ =	shalt  }
0x4f: {  	_ =	shalt  }
0x50: {  	_ =	shalt  }
0x51: {  	_ =	shalt  }
0x52: {  	_ =	shalt  }
0x53: {  	_ =	shalt  }
0x54: {  	_ =	shalt  }
0x55: {  	_ =	shalt  }
0x56: {  	_ =	shalt  }
0x57: {  	_ =	shalt  }
0x58: {  	_ =	shalt  }
0x59: {  	_ =	shalt  }
0x5a: {  	_ =	shalt  }
0x5b: {  	_ =	shalt  }
0x5c: {  	_ =	shalt  }
0x5d: {  	_ =	shalt  }
0x5e: {  	_ =	shalt  }
0x5f: {  	_ =	shalt  }
0x60: {  	_ =	shalt  }
0x61: {  	_ =	shalt  }
0x62: {  	_ =	shalt  }
0x63: {  	_ =	shalt  }
0x64: {  	_ =	shalt  }
0x65: {  	_ =	shalt  }
0x66: {  	_ =	shalt  }
0x67: {  	_ =	shalt  }
0x68: {  	_ =	shalt  }
0x69: {  	_ =	shalt  }
0x6a: {  	_ =	shalt  }
0x6b: {  	_ =	shalt  }
0x6c: {  	_ =	shalt  }
0x6d: {  	_ =	shalt  }
0x6e: {  	_ =	shalt  }
0x6f: {  	_ =	shalt  }
0x70: {  	_ =	shalt  }
0x71: {  	_ =	shalt  }
0x72: {  	_ =	shalt  }
0x73: {  	_ =	shalt  }
0x74: {  	_ =	shalt  }
0x75: {  	_ =	shalt  }
0x76: {  	_ =	shalt  }
0x77: {  	_ =	shalt  }
0x78: {  	_ =	shalt  }
0x79: {  	_ =	shalt  }
0x7a: {  	_ =	shalt  }
0x7b: {  	_ =	shalt  }
0x7c: {  	_ =	shalt  }
0x7d: {  	_ =	shalt  }
0x7e: {  	_ =	shalt  }
0x7f: {  	_ =	shalt  }
0x80: {  	_ =	shalt  }
0x81: {  	_ =	shalt  }
0x82: {  	_ =	shalt  }
0x83: {  	_ =	shalt  }
0x84: {  	_ =	shalt  }
0x85: {  	_ =	shalt  }
0x86: {  	_ =	shalt  }
0x87: {  	_ =	shalt  }
.Lfunc_end0:
.L_simem_size_0:
called_computation.1_lowered:
.L_overlay_start_0:
0x88: {  	s2 =	sld [smem:$0x3FD9]  }
0x89: {  	s3 =	sld [smem:$0x3FFE];
	_ =	sdelay $0x1  }
0x8a: {  	s1 =	srdreg.scid  }
0x8b: {  	s0 =	sand.u32 $0x1, s1  }
0x8c: {  	s17 =	sshll.u32 s0, $0xA;
	s2 =	sadd.s32 s3, s2  }
0x8d: {  	s2 =	sadd.s32 s2, s17  }
0x8e: {  	[smem:$0x3FBE] =	sst s2  }
0x8f: {  	_ = 	snop  }
0x90: {  	s2 =	sld [smem:$0x3FD0];
	(tm) =	ssettm $0x1  }
0x91: {  	s18 =	sld [smem:$0x3FFB];
	_ =	sdelay $0x3  }
0x92: {  	_ =	strace s18  }
0x93: {  	s3 =	sld [smem:$0x3FFC];
	_ =	sdelay $0x3  }
0x94: {  	_ =	strace s3  }
0x95: {  	s3 =	sld [smem:$0x3FFD];
	_ =	sdelay $0x3  }
0x96: {  	_ =	strace s3  }
0x97: {  	_ =	strace $0x8FFFFFFF  }
0x98: {  	s19 =	sld [smem:$0x3FDB];
	_ =	sdelay $0x1  }
0x99: {  	s4 =	simm.s32 $_scs_section_size  }
0x9a: {  	s5 =	simm.s32 $_size__tile_overlayer_lowered;
	s6 =	simm.s32 $_tile_overlayer_lowered  }
0x9b: {  	s22 =	simm.s32 $0x1BFF;
	s21 =	sshll.u32 s6, $0x1;
	s3 =	sadd.s32 s4, s19  }
0x9c: {  	s7 =	simm.s32 $0x0;
	s20 =	sshll.u32 s5, $0x1;
	s5 =	sadd.s32 s21, s3  }
0x9d: {  	[timem:s7], [sflag:s22] =	dma.local [hbm:s5], s20  }
0x9e: {  	_ =	swait.ge [sflag:s22], s20  }
0x9f: {  	s4 =	ssub.s32 $0x0, s20;
	[sflag:s22] =	ssyncset.done $0x0  }
0xa0: {  	[sflag:s22] =	ssyncadd.s32 s4;
	_ =	sdelay $0x1  }
0xa1: {  	s23 =	simm.s32 $0x1B8B  }
0xa2: {  	_ =	swait.ge [sflag:s23], $0x1  }
0xa3: {  	[sflag:s23] =	ssyncset.done $0x0  }
0xa4: {  	s25 =	simm.s32 $0x1B8E;
	s24 =	sld [smem:$0x3FFE];
	[sflag:s23] =	ssyncadd.s32 $0xFFFFFFFF  }
0xa5: {  	s26 =	simm.s32 $execute0_lowered;
	[smem:$0x3FD2] =	sst s25  }
0xa6: {  	s5 =	sshll.u32 s26, $0x1;
	_ =	strace $0x80000049;
	[dreg:$0x1] =	wrdreg $0xFFFFFFFF  }
0xa7: {  	s28 =	simm.s32 $_size_execute0_lowered;
	s3 =	sadd.s32 s3, s5;
	[dreg:$0x0] =	wrdreg $0x0  }
0xa8: {  	s5 =	sshll.u32 s28, $0x1;
	[dreg:$0x2] =	wrdreg s3  }
0xa9: {  	[dreg:$0x3] =	wrdreg s5  }
0xaa: {  	[dreg:$0x4] =	wrdreg $0xC0  }
0xab: {  	_ =	task [dreg:s7], $0x5FFFF  }
0xac: {  	[dreg:$0x1] =	wrdreg $0xFFFFFFFF  }
0xad: {  	[dreg:$0x0] =	wrdreg $0x60  }
0xae: {  	[dreg:$0x2] =	wrdreg s24  }
0xaf: {  	[dreg:$0x3] =	wrdreg s2  }
0xb0: {  	[dreg:$0x4] =	wrdreg $0x82000  }
0xb1: {  	[dreg:$0x5] =	wrdreg $0x9  }
0xb2: {  	_ =	task.clear_ibuf [dreg:s7], $0x6FFFF;
	_ =	strace $0x90000049  }
0xb3: {  	s29 =	simm.s32 $0x9;
	_ =	strace $0x8000004B  }
0xb4: {  	_ =	swait.ge [sflag:s29], $0x1  }
0xb5: {  	[sflag:s29] =	ssyncadd.s32 $0xFFFFFFFF  }
0xb6: {  	_ =	strace $0x9000004B  }
0xb7: {  	_ =	sfence  }
0xb8: {  	s30 =	sld [smem:$0x0];
	_ =	sdelay $0x2  }
0xb9: {  	s31 =	sshll.u32 s1, $0xD;
	s1 =	sshrl.u32 s1, $0x2  }
0xba: {  	s3 =	sand.u32 $0x4000, s31;
	s1 =	sadd.s32 s1, s30  }
0xbb: {  	s0 =	sor.u32 s3, s0;
	s1 =	sshll.u32 s1, $0x11  }
0xbc: {  	s0 =	sor.u32 s1, s0  }
0xbd: {  	s0 =	sadd.s32 $0x8F2B, s0  }
0xbe: {  	[sflag:s0] =	ssyncadd.remote.s32 $0x1  }
0xbf: {  	_ =	sfence.sel $0xFFFF  }
0xc0: {  	[dreg:$0x0] =	wrdreg $0xFFFFFFFF;
	(pc) =	sbr.abs _section_cstart, $3  }
0xc1: {  	[dreg:$0x1] =	wrdreg $0xFFFFFFFF  }
0xc2: {  	_ =	task.clear_ibuf [dreg:s7], $0x2FFFF;
	_ =	strace $0x9FFFFFFF  }
0xc3: {  	(tm) =	ssettm $0x7FFFFFFF  }
tec
execute0_lowered:
.L_overlay_start_1:
0x0: {  	(tag) =	ssettag $0x1  }
0x1: {  	s5 =	rddreg [dreg:$0x0]  }
0x2: {  	s1 =	srdreg.scid;
	s18 =	rddreg [dreg:$0x1]  }
0x3: {  	s0 =	stileid.u32;
	s2 =	rddreg [dreg:$0x2];
	s3 =	simm.s32 $0x0  }
0x4: {  	s20 =	simm.s32 $0x3;
	s21 =	simm.s32 $0x100;
	s4 =	smul.u32 $0x280, s0  }
0x5: {  	s22 =	simm.s32 $0x80;
	s23 =	simm.s32 $0x180;
	s8 =	smul.u32 $0x50000, s0  }
0x6: {  	s25 =	simm.s32 $0x4200;
	s26 =	simm.s32 $0x0;
	s9 =	smul.u32 $0x5000, s0  }
0x7: {  	s6 =	sand.u32 $0x1, s1;
	[smem:$0x7FF] =	sst s3;
	s19 =	smul.u32 $0xA00, s0  }
0x8: {  	s24 =	smul.u32 $0x2800, s6;
	_ =	strace $0x8000004A;
	s6 =	ssub.s32 $0x2, s6  }
0x9: {  	s8 =	sshrl.u32 s8, $0x2;
	s31 =	sshrl.u32 s6, $0x1;
	s9 =	sshrl.u32 s9, $0x3  }
0xa: {  	s7 =	sadd.s32 s4, s24;
	s4 =	sadd.s32 $0x2600, s5;
	s17 =	ssub.s32 s6, s31  }
0xb: {  	s9 =	sadd.s32 s18, s9;
	s18 =	sadd.s32 s19, s18;
	s19 =	simm.s32 $0x200  }
0xc: {  	v0 =	vmov s24;
	s24 =	simm.s32 $0x1;
	s7 =	sshll.u32 s7, $0x4;
	s11 =	sadd.s32 $0xA000, s9  }
0xd: {  	s17 =	smax.u32 s17, $0x1;
	s16 =	sadd.s32 s7, s5;
	s5 =	sadd.s32 s8, s2  }
0xe: {  	s6 =	sadd.s32 $0x4000, s5;
	s7 =	sadd.s32 $0x8000, s5;
	s8 =	sadd.s32 $0xC000, s5  }
0xf: {  	s10 =	sadd.s32 $0x10000, s5;
	s12 =	sadd.s32 $0x52600, s16;
	s13 =	sadd.s32 $0x52E00, s16  }
0x10: {  	v1 =	vimm.f32 $0.0e+00;
	s14 =	sadd.s32 $0x53600, s16;
	s15 =	sadd.s32 $0x53E00, s16;
	s16 =	sadd.s32 $0x54600, s16  }
.LBB2_1:
0x11: {  	s28 =	simm.s32 $0x0;
	s29 =	simm.s32 $0x200  }
.LBB2_2:
0x12: {  	p0 =	sne.s32 s29, $0xFE00;
	[tilespmem:s28+$0x270] =	vst v1  }
0x13: {  	[tilespmem:s28+$0x200] =	vst v1  }
0x14: {  	[tilespmem:s28+$0x210] =	vst v1  }
.Ltmp0:
0x15: {  	[tilespmem:s28+$0x220] =	vst v1;
	(pc) =	sbr.rel @p0 .LBB2_2-.Ltmp0, $4  }
0x16: {  	[tilespmem:s28+$0x230] =	vst v1  }
0x17: {  	[tilespmem:s28+$0x240] =	vst v1  }
0x18: {  	[tilespmem:s28+$0x250] =	vst v1  }
0x19: {  	[tilespmem:s28+$0x260] =	vst v1;
	s28 =	sshra.s32 s29, $0x2;
	s29 =	sadd.s32 $0x200, s29  }
0x1a: {  	[tilespmem:s28+$0x270] =	vst v1  }
0x1b: {  	[tilespmem:s28+$0x200] =	vst v1  }
0x1c: {  	[tilespmem:s28+$0x210] =	vst v1  }
0x1d: {  	[tilespmem:s28+$0x220] =	vst v1  }
0x1e: {  	[tilespmem:s28+$0x230] =	vst v1  }
0x1f: {  	[tilespmem:s28+$0x240] =	vst v1  }
0x20: {  	[tilespmem:s28+$0x250] =	vst v1  }
0x21: {  	[tilespmem:s28+$0x260] =	vst v1  }
0x22: {  	[spmem:s5] =	stream.linear.scatter [tilespmem:s19], [sflag:$0x3], $0x4000, $0x38;
	[tilespmem:$0x1C200] =	vst v63  }
0x23: {  	_ =	swait.ge [sflag:s20], $0x4000  }
0x24: {  	[sflag:s20] =	ssyncset.done $0x0  }
0x25: {  	[sflag:s20] =	ssyncadd.s32 $0xFFFFC000  }
0x26: {  	[spmem:s6] =	stream.linear.scatter [tilespmem:s19], [sflag:$0x3], $0x4000, $0x38;
	[tilespmem:$0x1C200] =	vst v63  }
0x27: {  	_ =	swait.ge [sflag:s20], $0x4000  }
0x28: {  	[sflag:s20] =	ssyncset.done $0x0  }
0x29: {  	[sflag:s20] =	ssyncadd.s32 $0xFFFFC000  }
0x2a: {  	[spmem:s7] =	stream.linear.scatter [tilespmem:s19], [sflag:$0x3], $0x4000, $0x38;
	[tilespmem:$0x1C200] =	vst v63  }
0x2b: {  	_ =	swait.ge [sflag:s20], $0x4000  }
0x2c: {  	[sflag:s20] =	ssyncset.done $0x0  }
0x2d: {  	[sflag:s20] =	ssyncadd.s32 $0xFFFFC000  }
0x2e: {  	[spmem:s8] =	stream.linear.scatter [tilespmem:s19], [sflag:$0x3], $0x4000, $0x38;
	[tilespmem:$0x1C200] =	vst v63  }
0x2f: {  	_ =	swait.ge [sflag:s20], $0x4000  }
0x30: {  	[sflag:s20] =	ssyncset.done $0x0  }
0x31: {  	[sflag:s20] =	ssyncadd.s32 $0xFFFFC000  }
0x32: {  	[spmem:s10] =	stream.linear.scatter [tilespmem:s19], [sflag:$0x3], $0x4000, $0x38;
	[tilespmem:$0x1C200] =	vst v63  }
0x33: {  	_ =	swait.ge [sflag:s20], $0x4000  }
0x34: {  	[sflag:s20] =	ssyncset.done $0x0  }
0x35: {  	[sflag:s20] =	ssyncadd.s32 $0xFFFFC000  }
0x36: {  	s28 =	simm.s32 $0x0;
	[bflag:$0x0] =	sbarrier.arrive $0xFFFF  }
0x37: {  	[tilespmem:s28], [sflag:$0x3] =	stream.linear.gather [hbm4b:s9+s28], $0x80, $0x38;
	[tilespmem:$0x1C200] =	vst v63  }
0x38: {  	_ =	swait.ge [sflag:s20], $0x80  }
0x39: {  	[sflag:s20] =	ssyncset.done $0x0  }
0x3a: {  	[sflag:s20] =	ssyncadd.s32 $0xFFFFFF80  }
0x3b: {  	[tilespmem:s21], [sflag:$0x3] =	stream.linear.gather [hbm4b:s11+s28], $0x80, $0x38;
	[tilespmem:$0x1C200] =	vst v63  }
0x3c: {  	_ =	swait.ge [sflag:s20], $0x80  }
0x3d: {  	[sflag:s20] =	ssyncset.done $0x0  }
0x3e: {  	[sflag:s20] =	ssyncadd.s32 $0xFFFFFF80  }
0x3f: {  	v2 =	vld [tilespmem:$0x0]  }
0x40: {  	v3 =	vld [tilespmem:$0x10]  }
0x41: {  	v4 =	vld [tilespmem:$0x20]  }
0x42: {  	v5 =	vld [tilespmem:$0x30]  }
0x43: {  	v6 =	vld [tilespmem:$0x40]  }
0x44: {  	v7 =	vld [tilespmem:$0x50];
	v2 =	vadd.s32 v0, v2  }
0x45: {  	[tilespmem:$0x0] =	vst v2;
	v2 =	vadd.s32 v0, v3;
	v3 =	vld [tilespmem:$0x60]  }
0x46: {  	v57 =	vld [tilespmem:$0x70];
	[tilespmem:$0x10] =	vst v2;
	v2 =	vadd.s32 v0, v4  }
0x47: {  	[tilespmem:$0x20] =	vst v2;
	v2 =	vadd.s32 v0, v5  }
0x48: {  	[tilespmem:$0x30] =	vst v2;
	v2 =	vadd.s32 v0, v6  }
0x49: {  	[tilespmem:$0x40] =	vst v2;
	v2 =	vadd.s32 v0, v7  }
0x4a: {  	[tilespmem:$0x50] =	vst v2;
	v2 =	vadd.s32 v0, v3  }
0x4b: {  	[tilespmem:$0x60] =	vst v2;
	v2 =	vadd.s32 v0, v57  }
0x4c: {  	[tilespmem:$0x70] =	vst v2  }
0x4d: {  	[tilespmem:s19], [sflag:$0x1] =	stream.indirect.gather [hbm4b:s4+s22], $0x80, s28, s22, $0xb8;
	[tilespmem:$0x1C200] =	vst v63  }
0x4e: {  	s28 =	sadd.s32 $0x0, s18  }
0x4f: {  	s29 =	sadd.s32 $0x10, s28  }
0x50: {  	[tilespmem:s22], [sflag:$0x3] =	stream.linear.gather [hbm4b:s29+s3], $0x80, $0x38;
	[tilespmem:$0x1C200] =	vst v63  }
0x51: {  	_ =	swait.ge [sflag:s20], $0x80  }
0x52: {  	[sflag:s20] =	ssyncset.done $0x0  }
0x53: {  	s28 =	sadd.s32 $0xA010, s28;
	[sflag:s20] =	ssyncadd.s32 $0xFFFFFF80  }
0x54: {  	[tilespmem:s23], [sflag:$0x3] =	stream.linear.gather [hbm4b:s28+s3], $0x80, $0x38;
	[tilespmem:$0x1C200] =	vst v63  }
0x55: {  	_ =	swait.ge [sflag:s20], $0x80  }
0x56: {  	[sflag:s20] =	ssyncset.done $0x0  }
0x57: {  	[sflag:s20] =	ssyncadd.s32 $0xFFFFFF80  }
0x58: {  	v2 =	vld [tilespmem:$0xF0]  }
0x59: {  	v3 =	vld [tilespmem:$0xD0]  }
0x5a: {  	v58 =	vld [tilespmem:$0xC0]  }
0x5b: {  	v60 =	vld [tilespmem:$0xA0]  }
0x5c: {  	v8 =	vld [tilespmem:$0x80]  }
0x5d: {  	v59 =	vld [tilespmem:$0xB0];
	v2 =	vadd.s32 v0, v2  }
0x5e: {  	v61 =	vld [tilespmem:$0xE0];
	v3 =	vadd.s32 v0, v3;
	[tilespmem:$0xF0] =	vst v2  }
0x5f: {  	v4 =	vadd.s32 v0, v58;
	v2 =	vld [tilespmem:$0x90];
	[tilespmem:$0xD0] =	vst v3  }
0x60: {  	v62 =	vadd.s32 v0, v60;
	[tilespmem:$0xC0] =	vst v4  }
0x61: {  	v63 =	vadd.s32 v0, v8;
	[tilespmem:$0xA0] =	vst v62  }
0x62: {  	v3 =	vadd.s32 v0, v59;
	[tilespmem:$0x80] =	vst v63  }
0x63: {  	[tilespmem:$0xB0] =	vst v3;
	v3 =	vadd.s32 v0, v61  }
0x64: {  	[tilespmem:$0xE0] =	vst v3;
	v2 =	vadd.s32 v0, v2  }
0x65: {  	[tilespmem:$0x90] =	vst v2  }
0x66: {  	_ =	swait.ge [sflag:s24], $0x4000  }
0x67: {  	[sflag:s24] =	ssyncset.done $0x0  }
0x68: {  	[sflag:s24] =	ssyncadd.s32 $0xFFFFC000  }
0x69: {  	[tilespmem:s25], [sflag:$0x2] =	stream.indirect.gather [hbm4b:s4+s22], $0x80, s22, s22, $0xb8;
	[tilespmem:$0x1C200] =	vst v63  }
0x6a: {  	_ = 	snop  }
0x6b: {  	[spmem:s2] =	stream.indirect.scatter.add.f32 [tilespmem:s19], [sflag:$0x3], $0x80, s21, s22, $0xb8;
	[tilespmem:$0x1C200] =	vst v63  }
0x6c: {  	_ =	swait.ge [sflag:s20], $0x4000  }
0x6d: {  	p0 =	por $0x0, $0x0;
	[sflag:s20] =	ssyncset.done $0x0  }
0x6e: {  	s28 =	simm.s32 @p0 $0x2;
	[sflag:s20] =	ssyncadd.s32 $0xFFFFC000  }
0x6f: {  	_ =	swait.ge @p0 [sflag:s28], $0x4000  }
0x70: {  	s31 =	simm.s32 @!p0 $0x3;
	s29 =	sadd.s32 @!p0 $0x0, s18;
	[sflag:s28] =	ssyncset.done @p0 $0x0  }
0x71: {  	s30 =	sadd.s32 @!p0 $0x20, s29;
	[sflag:s28] =	ssyncadd.s32 @p0 $0xFFFFC000;
	s28 =	simm.s32 @!p0 $0x0  }
0x72: {  	[tilespmem:s28], [sflag:$0x3] =	stream.linear.gather @!p0 [hbm4b:s30+s28], $0x80, $0x38;
	[tilespmem:$0x1C200] =	vst v63  }
0x73: {  	_ =	swait.ge @!p0 [sflag:s31], $0x80  }
0x74: {  	[sflag:s31] =	ssyncset.done @!p0 $0x0  }
0x75: {  	s29 =	sadd.s32 @!p0 $0xA020, s29;
	s30 =	simm.s32 @!p0 $0x100;
	[sflag:s31] =	ssyncadd.s32 @!p0 $0xFFFFFF80  }
0x76: {  	[tilespmem:s30], [sflag:$0x3] =	stream.linear.gather @!p0 [hbm4b:s29+s28], $0x80, $0x38;
	[tilespmem:$0x1C200] =	vst v63  }
0x77: {  	_ =	swait.ge @!p0 [sflag:s31], $0x80  }
0x78: {  	[sflag:s31] =	ssyncset.done @!p0 $0x0  }
0x79: {  	[sflag:s31] =	ssyncadd.s32 @!p0 $0xFFFFFF80  }
0x7a: {  	v2 =	vld @!p0 [tilespmem:$0x0]  }
0x7b: {  	v3 =	vld @!p0 [tilespmem:$0x10]  }
0x7c: {  	v4 =	vld @!p0 [tilespmem:$0x20]  }
0x7d: {  	v5 =	vld @!p0 [tilespmem:$0x30]  }
0x7e: {  	v6 =	vld @!p0 [tilespmem:$0x40]  }
0x7f: {  	v7 =	vld @!p0 [tilespmem:$0x50];
	v2 =	vadd.s32 @!p0 v0, v2  }
0x80: {  	[tilespmem:$0x0] =	vst @!p0 v2;
	v2 =	vadd.s32 @!p0 v0, v3;
	v3 =	vld @!p0 [tilespmem:$0x60]  }
0x81: {  	[tilespmem:$0x10] =	vst @!p0 v2;
	v2 =	vadd.s32 @!p0 v0, v4;
	v4 =	vld @!p0 [tilespmem:$0x70]  }
0x82: {  	[tilespmem:$0x20] =	vst @!p0 v2;
	v2 =	vadd.s32 @!p0 v0, v5  }
0x83: {  	[tilespmem:$0x30] =	vst @!p0 v2;
	v2 =	vadd.s32 @!p0 v0, v6  }
0x84: {  	[tilespmem:$0x40] =	vst @!p0 v2;
	v2 =	vadd.s32 @!p0 v0, v7  }
0x85: {  	[tilespmem:$0x50] =	vst @!p0 v2;
	v2 =	vadd.s32 @!p0 v0, v3  }
0x86: {  	[tilespmem:$0x60] =	vst @!p0 v2;
	v2 =	vadd.s32 @!p0 v0, v4  }
0x87: {  	s29 =	simm.s32 @!p0 $0x2;
	[tilespmem:$0x70] =	vst @!p0 v2  }
0x88: {  	_ =	swait.ge @!p0 [sflag:s29], $0x4000  }
0x89: {  	[sflag:s29] =	ssyncset.done @!p0 $0x0  }
0x8a: {  	s30 =	simm.s32 @!p0 $0x200;
	[sflag:s29] =	ssyncadd.s32 @!p0 $0xFFFFC000;
	s29 =	simm.s32 @!p0 $0x80  }
0x8b: {  	[tilespmem:s30], [sflag:$0x1] =	stream.indirect.gather @!p0 [hbm4b:s4+s29], $0x80, s28, s29, $0xb8;
	[tilespmem:$0x1C200] =	vst v63  }
0x8c: {  	s28 =	simm.s32 $0x20;
	s29 =	simm.s32 $0x40  }
.LBB2_4:
0x8d: {  	[spmem:s2] =	stream.indirect.scatter.add.f32 [tilespmem:s25], [sflag:$0x3], $0x80, s23, s22, $0xb8;
	[tilespmem:$0x1C200] =	vst v63  }
0x8e: {  	s30 =	smov.u32 s29;
	s29 =	sadd.s32 $0x20, s29;
	_ =	swait.ge [sflag:s20], $0x4000  }
0x8f: {  	s31 =	sadd.s32 s28, s18;
	p0 =	sne.s32 s29, $0xA00;
	[sflag:s20] =	ssyncset.done $0x0  }
0x90: {  	s1 =	sadd.s32 $0x10, s31;
	[sflag:s20] =	ssyncadd.s32 $0xFFFFC000  }
0x91: {  	[tilespmem:s22], [sflag:$0x3] =	stream.linear.gather [hbm4b:s1+s3], $0x80, $0x38;
	[tilespmem:$0x1C200] =	vst v63  }
0x92: {  	_ =	swait.ge [sflag:s20], $0x80  }
0x93: {  	[sflag:s20] =	ssyncset.done $0x0  }
0x94: {  	s1 =	sadd.s32 $0xA010, s31;
	[sflag:s20] =	ssyncadd.s32 $0xFFFFFF80  }
0x95: {  	[tilespmem:s23], [sflag:$0x3] =	stream.linear.gather [hbm4b:s1+s3], $0x80, $0x38;
	[tilespmem:$0x1C200] =	vst v63  }
0x96: {  	_ =	swait.ge [sflag:s20], $0x80  }
0x97: {  	[sflag:s20] =	ssyncset.done $0x0  }
0x98: {  	[sflag:s20] =	ssyncadd.s32 $0xFFFFFF80  }
0x99: {  	v2 =	vld [tilespmem:$0xF0]  }
0x9a: {  	v3 =	vld [tilespmem:$0xD0]  }
0x9b: {  	v4 =	vld [tilespmem:$0xC0]  }
0x9c: {  	v5 =	vld [tilespmem:$0xB0]  }
0x9d: {  	v6 =	vld [tilespmem:$0xA0]  }
0x9e: {  	v7 =	vld [tilespmem:$0xE0];
	v2 =	vadd.s32 v0, v2  }
0x9f: {  	v8 =	vld [tilespmem:$0x80];
	v3 =	vadd.s32 v0, v3;
	[tilespmem:$0xF0] =	vst v2  }
0xa0: {  	v2 =	vld [tilespmem:$0x90];
	v4 =	vadd.s32 v0, v4;
	[tilespmem:$0xD0] =	vst v3  }
0xa1: {  	v3 =	vadd.s32 v0, v5;
	[tilespmem:$0xC0] =	vst v4  }
0xa2: {  	v4 =	vadd.s32 v0, v6;
	[tilespmem:$0xB0] =	vst v3  }
0xa3: {  	[tilespmem:$0xA0] =	vst v4;
	v3 =	vadd.s32 v0, v7  }
0xa4: {  	v4 =	vadd.s32 v0, v8;
	[tilespmem:$0xE0] =	vst v3  }
0xa5: {  	[tilespmem:$0x80] =	vst v4;
	v2 =	vadd.s32 v0, v2  }
0xa6: {  	[tilespmem:$0x90] =	vst v2  }
0xa7: {  	_ =	swait.ge [sflag:s24], $0x4000  }
0xa8: {  	[sflag:s24] =	ssyncset.done $0x0  }
0xa9: {  	[sflag:s24] =	ssyncadd.s32 $0xFFFFC000  }
0xaa: {  	[tilespmem:s25], [sflag:$0x2] =	stream.indirect.gather [hbm4b:s4+s22], $0x80, s22, s22, $0xb8;
	[tilespmem:$0x1C200] =	vst v63  }
0xab: {  	_ = 	snop  }
0xac: {  	[spmem:s2] =	stream.indirect.scatter.add.f32 [tilespmem:s19], [sflag:$0x3], $0x80, s21, s22, $0xb8;
	[tilespmem:$0x1C200] =	vst v63  }
0xad: {  	_ =	swait.ge [sflag:s20], $0x4000  }
0xae: {  	p1 =	seq.s32 s28, $0x9E0;
	[sflag:s20] =	ssyncset.done $0x0  }
0xaf: {  	s28 =	sadd.s32 @!p1 s28, s18;
	s1 =	simm.s32 @p1 $0x2;
	[sflag:s20] =	ssyncadd.s32 $0xFFFFC000  }
0xb0: {  	s0 =	sadd.s32 @!p1 $0xA020, s28;
	s31 =	sadd.s32 @!p1 $0x20, s28;
	_ =	swait.ge @p1 [sflag:s1], $0x4000  }
0xb1: {  	s28 =	smov.u32 s30;
	[sflag:s1] =	ssyncset.done @p1 $0x0  }
0xb2: {  	s30 =	simm.s32 @!p1 $0x0;
	[sflag:s1] =	ssyncadd.s32 @p1 $0xFFFFC000;
	s1 =	simm.s32 @!p1 $0x3  }
0xb3: {  	[tilespmem:s30], [sflag:$0x3] =	stream.linear.gather @!p1 [hbm4b:s31+s30], $0x80, $0x38;
	[tilespmem:$0x1C200] =	vst v63  }
0xb4: {  	_ =	swait.ge @!p1 [sflag:s1], $0x80  }
0xb5: {  	[sflag:s1] =	ssyncset.done @!p1 $0x0  }
0xb6: {  	s31 =	simm.s32 @!p1 $0x100;
	[sflag:s1] =	ssyncadd.s32 @!p1 $0xFFFFFF80  }
0xb7: {  	[tilespmem:s31], [sflag:$0x3] =	stream.linear.gather @!p1 [hbm4b:s0+s30], $0x80, $0x38;
	[tilespmem:$0x1C200] =	vst v63  }
0xb8: {  	_ =	swait.ge @!p1 [sflag:s1], $0x80  }
0xb9: {  	[sflag:s1] =	ssyncset.done @!p1 $0x0  }
0xba: {  	[sflag:s1] =	ssyncadd.s32 @!p1 $0xFFFFFF80  }
0xbb: {  	v2 =	vld @!p1 [tilespmem:$0x0]  }
0xbc: {  	v3 =	vld @!p1 [tilespmem:$0x10]  }
0xbd: {  	v4 =	vld @!p1 [tilespmem:$0x20]  }
0xbe: {  	v5 =	vld @!p1 [tilespmem:$0x30]  }
0xbf: {  	v6 =	vld @!p1 [tilespmem:$0x40]  }
0xc0: {  	v2 =	vadd.s32 @!p1 v0, v2;
	v7 =	vld @!p1 [tilespmem:$0x50]  }
0xc1: {  	[tilespmem:$0x0] =	vst @!p1 v2;
	v2 =	vadd.s32 @!p1 v0, v3;
	v3 =	vld @!p1 [tilespmem:$0x60]  }
0xc2: {  	[tilespmem:$0x10] =	vst @!p1 v2;
	v2 =	vadd.s32 @!p1 v0, v4;
	v4 =	vld @!p1 [tilespmem:$0x70]  }
0xc3: {  	[tilespmem:$0x20] =	vst @!p1 v2;
	v2 =	vadd.s32 @!p1 v0, v5  }
0xc4: {  	[tilespmem:$0x30] =	vst @!p1 v2;
	v2 =	vadd.s32 @!p1 v0, v6  }
0xc5: {  	[tilespmem:$0x40] =	vst @!p1 v2;
	v2 =	vadd.s32 @!p1 v0, v7  }
0xc6: {  	[tilespmem:$0x50] =	vst @!p1 v2;
	v2 =	vadd.s32 @!p1 v0, v3  }
0xc7: {  	[tilespmem:$0x60] =	vst @!p1 v2;
	v2 =	vadd.s32 @!p1 v0, v4  }
.Ltmp1:
0xc8: {  	s0 =	simm.s32 @!p1 $0x2;
	[tilespmem:$0x70] =	vst @!p1 v2;
	(pc) =	sbr.rel @p0 .LBB2_4-.Ltmp1, $4  }
0xc9: {  	_ =	swait.ge @!p1 [sflag:s0], $0x4000  }
0xca: {  	[sflag:s0] =	ssyncset.done @!p1 $0x0  }
0xcb: {  	s1 =	simm.s32 @!p1 $0x200;
	[sflag:s0] =	ssyncadd.s32 @!p1 $0xFFFFC000;
	s0 =	simm.s32 @!p1 $0x80  }
0xcc: {  	[tilespmem:s1], [sflag:$0x1] =	stream.indirect.gather @!p1 [hbm4b:s4+s0], $0x80, s30, s0, $0xb8;
	[tilespmem:$0x1C200] =	vst v63  }
0xcd: {  	[spmem:s2] =	stream.indirect.scatter.add.f32 [tilespmem:s25], [sflag:$0x3], $0x80, s23, s22, $0xb8;
	[tilespmem:$0x1C200] =	vst v63  }
0xce: {  	_ =	swait.ge [sflag:s20], $0x4000  }
0xcf: {  	s0 =	sadd.s32 s28, s18;
	[sflag:s20] =	ssyncset.done $0x0  }
0xd0: {  	s1 =	sadd.s32 $0x10, s0;
	[sflag:s20] =	ssyncadd.s32 $0xFFFFC000  }
0xd1: {  	[tilespmem:s22], [sflag:$0x3] =	stream.linear.gather [hbm4b:s1+s3], $0x80, $0x38;
	[tilespmem:$0x1C200] =	vst v63  }
0xd2: {  	_ =	swait.ge [sflag:s20], $0x80  }
0xd3: {  	[sflag:s20] =	ssyncset.done $0x0  }
0xd4: {  	s0 =	sadd.s32 $0xA010, s0;
	[sflag:s20] =	ssyncadd.s32 $0xFFFFFF80  }
0xd5: {  	[tilespmem:s23], [sflag:$0x3] =	stream.linear.gather [hbm4b:s0+s3], $0x80, $0x38;
	[tilespmem:$0x1C200] =	vst v63  }
0xd6: {  	_ =	swait.ge [sflag:s20], $0x80  }
0xd7: {  	[sflag:s20] =	ssyncset.done $0x0  }
0xd8: {  	[sflag:s20] =	ssyncadd.s32 $0xFFFFFF80  }
0xd9: {  	v2 =	vld [tilespmem:$0xF0]  }
0xda: {  	v3 =	vld [tilespmem:$0xD0]  }
0xdb: {  	v4 =	vld [tilespmem:$0xC0]  }
0xdc: {  	v6 =	vld [tilespmem:$0xA0]  }
0xdd: {  	v8 =	vld [tilespmem:$0x80]  }
0xde: {  	v5 =	vld [tilespmem:$0xB0];
	v2 =	vadd.s32 v0, v2  }
0xdf: {  	v7 =	vld [tilespmem:$0xE0];
	v3 =	vadd.s32 v0, v3;
	[tilespmem:$0xF0] =	vst v2  }
0xe0: {  	v4 =	vadd.s32 v0, v4;
	v2 =	vld [tilespmem:$0x90];
	[tilespmem:$0xD0] =	vst v3  }
0xe1: {  	v62 =	vadd.s32 v0, v6;
	[tilespmem:$0xC0] =	vst v4  }
0xe2: {  	v63 =	vadd.s32 v0, v8;
	[tilespmem:$0xA0] =	vst v62  }
0xe3: {  	v3 =	vadd.s32 v0, v5;
	[tilespmem:$0x80] =	vst v63  }
0xe4: {  	[tilespmem:$0xB0] =	vst v3;
	v3 =	vadd.s32 v0, v7  }
0xe5: {  	[tilespmem:$0xE0] =	vst v3;
	v2 =	vadd.s32 v0, v2  }
0xe6: {  	[tilespmem:$0x90] =	vst v2  }
0xe7: {  	_ =	swait.ge [sflag:s24], $0x4000  }
0xe8: {  	[sflag:s24] =	ssyncset.done $0x0  }
0xe9: {  	[sflag:s24] =	ssyncadd.s32 $0xFFFFC000  }
0xea: {  	[tilespmem:s25], [sflag:$0x2] =	stream.indirect.gather [hbm4b:s4+s22], $0x80, s22, s22, $0xb8;
	[tilespmem:$0x1C200] =	vst v63  }
0xeb: {  	_ = 	snop  }
0xec: {  	[spmem:s2] =	stream.indirect.scatter.add.f32 [tilespmem:s19], [sflag:$0x3], $0x80, s21, s22, $0xb8;
	[tilespmem:$0x1C200] =	vst v63  }
0xed: {  	_ =	swait.ge [sflag:s20], $0x4000  }
0xee: {  	p0 =	seq.s32 s28, $0x9E0;
	[sflag:s20] =	ssyncset.done $0x0  }
0xef: {  	s0 =	simm.s32 @p0 $0x2;
	[sflag:s20] =	ssyncadd.s32 $0xFFFFC000  }
0xf0: {  	_ =	swait.ge @p0 [sflag:s0], $0x4000  }
0xf1: {  	s29 =	simm.s32 @!p0 $0x3;
	s1 =	sadd.s32 @!p0 s28, s18;
	[sflag:s0] =	ssyncset.done @p0 $0x0  }
0xf2: {  	s28 =	sadd.s32 @!p0 $0x20, s1;
	[sflag:s0] =	ssyncadd.s32 @p0 $0xFFFFC000;
	s0 =	simm.s32 @!p0 $0x0  }
0xf3: {  	[tilespmem:s0], [sflag:$0x3] =	stream.linear.gather @!p0 [hbm4b:s28+s0], $0x80, $0x38;
	[tilespmem:$0x1C200] =	vst v63  }
0xf4: {  	_ =	swait.ge @!p0 [sflag:s29], $0x80  }
0xf5: {  	[sflag:s29] =	ssyncset.done @!p0 $0x0  }
0xf6: {  	s1 =	sadd.s32 @!p0 $0xA020, s1;
	s28 =	simm.s32 @!p0 $0x100;
	[sflag:s29] =	ssyncadd.s32 @!p0 $0xFFFFFF80  }
0xf7: {  	[tilespmem:s28], [sflag:$0x3] =	stream.linear.gather @!p0 [hbm4b:s1+s0], $0x80, $0x38;
	[tilespmem:$0x1C200] =	vst v63  }
0xf8: {  	_ =	swait.ge @!p0 [sflag:s29], $0x80  }
0xf9: {  	[sflag:s29] =	ssyncset.done @!p0 $0x0  }
0xfa: {  	[sflag:s29] =	ssyncadd.s32 @!p0 $0xFFFFFF80  }
0xfb: {  	v2 =	vld @!p0 [tilespmem:$0x0]  }
0xfc: {  	v3 =	vld @!p0 [tilespmem:$0x10]  }
0xfd: {  	v4 =	vld @!p0 [tilespmem:$0x20]  }
0xfe: {  	v5 =	vld @!p0 [tilespmem:$0x30]  }
0xff: {  	v6 =	vld @!p0 [tilespmem:$0x40]  }
0x100: {  	v7 =	vld @!p0 [tilespmem:$0x50];
	v2 =	vadd.s32 @!p0 v0, v2  }
0x101: {  	[tilespmem:$0x0] =	vst @!p0 v2;
	v2 =	vadd.s32 @!p0 v0, v3;
	v3 =	vld @!p0 [tilespmem:$0x60]  }
0x102: {  	[tilespmem:$0x10] =	vst @!p0 v2;
	v2 =	vadd.s32 @!p0 v0, v4;
	v4 =	vld @!p0 [tilespmem:$0x70]  }
0x103: {  	[tilespmem:$0x20] =	vst @!p0 v2;
	v2 =	vadd.s32 @!p0 v0, v5  }
0x104: {  	[tilespmem:$0x30] =	vst @!p0 v2;
	v2 =	vadd.s32 @!p0 v0, v6  }
0x105: {  	[tilespmem:$0x40] =	vst @!p0 v2;
	v2 =	vadd.s32 @!p0 v0, v7  }
0x106: {  	[tilespmem:$0x50] =	vst @!p0 v2;
	v2 =	vadd.s32 @!p0 v0, v3  }
0x107: {  	[tilespmem:$0x60] =	vst @!p0 v2;
	v2 =	vadd.s32 @!p0 v0, v4  }
0x108: {  	s1 =	simm.s32 @!p0 $0x2;
	[tilespmem:$0x70] =	vst @!p0 v2  }
0x109: {  	_ =	swait.ge @!p0 [sflag:s1], $0x4000  }
0x10a: {  	[sflag:s1] =	ssyncset.done @!p0 $0x0  }
0x10b: {  	s28 =	simm.s32 @!p0 $0x200;
	[sflag:s1] =	ssyncadd.s32 @!p0 $0xFFFFC000;
	s1 =	simm.s32 @!p0 $0x80  }
0x10c: {  	[tilespmem:s28], [sflag:$0x1] =	stream.indirect.gather @!p0 [hbm4b:s4+s1], $0x80, s0, s1, $0xb8;
	[tilespmem:$0x1C200] =	vst v63  }
0x10d: {  	_ = 	snop  }
0x10e: {  	[spmem:s2] =	stream.indirect.scatter.add.f32 [tilespmem:s25], [sflag:$0x3], $0x80, s23, s22, $0xb8;
	[tilespmem:$0x1C200] =	vst v63  }
0x10f: {  	_ =	swait.ge [sflag:s20], $0x4000  }
0x110: {  	[sflag:s20] =	ssyncset.done $0x0  }
0x111: {  	[sflag:s20] =	ssyncadd.s32 $0xFFFFC000  }
0x112: {  	[bflag:$0x0] =	sbarrier.arrive $0xFFFF  }
0x113: {  	[tilespmem:s19], [sflag:$0x3] =	stream.linear.gather [spmem:s5], $0x4000, $0x38;
	[tilespmem:$0x1C200] =	vst v63  }
0x114: {  	_ =	swait.ge [sflag:s20], $0x4000  }
0x115: {  	[sflag:s20] =	ssyncset.done $0x0  }
0x116: {  	[sflag:s20] =	ssyncadd.s32 $0xFFFFC000  }
0x117: {  	[hbm4b:s12+s3] =	stream.linear.scatter [tilespmem:s19], [sflag:$0x3], $0x4000, $0x38;
	[tilespmem:$0x1C200] =	vst v63  }
0x118: {  	_ =	swait.ge [sflag:s20], $0x4000  }
0x119: {  	[sflag:s20] =	ssyncset.done $0x0  }
0x11a: {  	[sflag:s20] =	ssyncadd.s32 $0xFFFFC000  }
0x11b: {  	[tilespmem:s19], [sflag:$0x3] =	stream.linear.gather [spmem:s6], $0x4000, $0x38;
	[tilespmem:$0x1C200] =	vst v63  }
0x11c: {  	_ =	swait.ge [sflag:s20], $0x4000  }
0x11d: {  	[sflag:s20] =	ssyncset.done $0x0  }
0x11e: {  	[sflag:s20] =	ssyncadd.s32 $0xFFFFC000  }
0x11f: {  	[hbm4b:s13+s3] =	stream.linear.scatter [tilespmem:s19], [sflag:$0x3], $0x4000, $0x38;
	[tilespmem:$0x1C200] =	vst v63  }
0x120: {  	_ =	swait.ge [sflag:s20], $0x4000  }
0x121: {  	[sflag:s20] =	ssyncset.done $0x0  }
0x122: {  	[sflag:s20] =	ssyncadd.s32 $0xFFFFC000  }
0x123: {  	[tilespmem:s19], [sflag:$0x3] =	stream.linear.gather [spmem:s7], $0x4000, $0x38;
	[tilespmem:$0x1C200] =	vst v63  }
0x124: {  	_ =	swait.ge [sflag:s20], $0x4000  }
0x125: {  	[sflag:s20] =	ssyncset.done $0x0  }
0x126: {  	[sflag:s20] =	ssyncadd.s32 $0xFFFFC000  }
0x127: {  	[hbm4b:s14+s3] =	stream.linear.scatter [tilespmem:s19], [sflag:$0x3], $0x4000, $0x38;
	[tilespmem:$0x1C200] =	vst v63  }
0x128: {  	_ =	swait.ge [sflag:s20], $0x4000  }
0x129: {  	[sflag:s20] =	ssyncset.done $0x0  }
0x12a: {  	[sflag:s20] =	ssyncadd.s32 $0xFFFFC000  }
0x12b: {  	[tilespmem:s19], [sflag:$0x3] =	stream.linear.gather [spmem:s8], $0x4000, $0x38;
	[tilespmem:$0x1C200] =	vst v63  }
0x12c: {  	_ =	swait.ge [sflag:s20], $0x4000  }
0x12d: {  	[sflag:s20] =	ssyncset.done $0x0  }
0x12e: {  	[sflag:s20] =	ssyncadd.s32 $0xFFFFC000  }
0x12f: {  	[hbm4b:s15+s3] =	stream.linear.scatter [tilespmem:s19], [sflag:$0x3], $0x4000, $0x38;
	[tilespmem:$0x1C200] =	vst v63  }
0x130: {  	_ =	swait.ge [sflag:s20], $0x4000  }
0x131: {  	[sflag:s20] =	ssyncset.done $0x0  }
0x132: {  	[sflag:s20] =	ssyncadd.s32 $0xFFFFC000  }
0x133: {  	[tilespmem:s19], [sflag:$0x3] =	stream.linear.gather [spmem:s10], $0x4000, $0x38;
	[tilespmem:$0x1C200] =	vst v63  }
0x134: {  	s26 =	sadd.s32 $0x1, s26;
	_ =	swait.ge [sflag:s20], $0x4000  }
0x135: {  	p0 =	sne.s32 s26, s17;
	[sflag:s20] =	ssyncset.done $0x0  }
.Ltmp2:
0x136: {  	[sflag:s20] =	ssyncadd.s32 $0xFFFFC000;
	(pc) =	sbr.rel @p0 .LBB2_1-.Ltmp2, $4  }
0x137: {  	[hbm4b:s16+s3] =	stream.linear.scatter [tilespmem:s19], [sflag:$0x3], $0x4000, $0x38;
	[tilespmem:$0x1C200] =	vst v63  }
0x138: {  	_ =	swait.ge [sflag:s20], $0x4000  }
0x139: {  	[sflag:s20] =	ssyncset.done $0x0  }
0x13a: {  	[sflag:s20] =	ssyncadd.s32 $0xFFFFC000  }
0x13b: {  	_ =	sfence.sel $0x180000  }
0x13c: {  	[bflag:$0x0] =	sbarrier.arrive $0xFFFF  }
0x13d: {  	_ =	strace $0x9000004A  }
0x13e: {  	s0 =	stileid.u32;
	[bflag:$0x2] =	sbarrier.arrive $0xFFFF  }
0x13f: {  	p0 =	sne.s32 s0, $0x0;
	s0 =	rddreg [dreg:$0x3]  }
0x140: {  	s0 =	sadd.s32 @!p0 $0x100000, s0  }
0x141: {  	[sflag:s0] =	ssyncadd.tile.s32 @!p0 $0x1;
	_ =	shalt  }
.Lfunc_end2:
_tile_overlayer_lowered:
.L_overlay_start_2:
0x142: {  	(tag) =	ssettag $0x2  }
0x143: {  	s0 =	rddreg [dreg:$0x0];
	s2 =	stileid.u32  }
0x144: {  	s1 =	rddreg [dreg:$0x1];
	p0 =	sne.s32 s2, $0x0  }
0x145: {  	s3 =	rddreg [dreg:$0x2];
	[bflag:$0x3] =	sbarrier.arrive $0xFFFF;
	s2 =	simm.s32 @!p0 $0x1C03  }
0x146: {  	[timem:s3], [sflag:s2] =	dma.local @!p0 [hbm:s0], s1  }
0x147: {  	s0 =	simm.s32 @!p0 $0x3  }
0x148: {  	_ =	swait.ge @!p0 [sflag:s0], s1  }
0x149: {  	s1 =	ssub.s32 @!p0 $0x0, s1;
	[sflag:s0] =	ssyncset.done @!p0 $0x0  }
0x14a: {  	[sflag:s0] =	ssyncadd.s32 @!p0 s1  }
0x14b: {  	[bflag:$0x3] =	sbarrier.arrive $0xFFFF  }
0x14c: {  	_ =	shalt  }

</sc_bundles>
